<compile_context>
chip_gen: v7x
topology: tpu7x:2x2x1
jax: 0.10.2.dev20260603
libtpu: 0.0.44.dev20260713+nightly
codegen_flags: <defaults>
</compile_context>

<pallas_src>
import functools

import jax
import jax.numpy as jnp
import numpy as np
from jax import lax
from jax.experimental import pallas as pl
from jax.experimental.pallas import tpu as pltpu
from jax.experimental.pallas import tpu_sc as plsc

N = 10000
E = 320000
D = 128
H = 8
DK = 16

NW = 32
EPW = E // NW
BE = 400
NBLK = EPW // BE
BE2 = 2000
NBLK2 = EPW // BE2
NPAD = 10240
RPT = NPAD // 16

_SLOT2PROD = (0, 8, 4, 12, 2, 10, 6, 14, 1, 9, 5, 13, 3, 11, 7, 15)

_ROW_BLK = 2000

_GATHER_DN = lax.GatherDimensionNumbers(
    offset_dims=(), collapsed_slice_dims=(0,), start_index_map=(0,))


def _perm16(vec, idx):
    return lax.gather(vec, idx[:, None], _GATHER_DN, (1,),
                      mode=lax.GatherScatterMode.PROMISE_IN_BOUNDS)


def _proj_body(x_ref, wq_ref, wk_ref, wv_ref, bq_ref, bk_ref, bv_ref,
               q_ref, k_ref, v_ref):
    x = x_ref[...]
    q_ref[...] = jnp.dot(x, wq_ref[...].T, preferred_element_type=jnp.float32) + bq_ref[...]
    k_ref[...] = jnp.dot(x, wk_ref[...].T, preferred_element_type=jnp.float32) + bk_ref[...]
    v_ref[...] = jnp.dot(x, wv_ref[...].T, preferred_element_type=jnp.float32) + bv_ref[...]


def _projections(x, W_Q, W_K, W_V, b_Q, b_K, b_V):
    grid = (N // _ROW_BLK,)
    row_spec = pl.BlockSpec((_ROW_BLK, D), lambda i: (i, 0))
    w_spec = pl.BlockSpec((D, D), lambda i: (0, 0))
    b_spec = pl.BlockSpec((D,), lambda i: (0,))
    return pl.pallas_call(
        _proj_body,
        grid=grid,
        in_specs=[row_spec, w_spec, w_spec, w_spec, b_spec, b_spec, b_spec],
        out_specs=[row_spec, row_spec, row_spec],
        out_shape=[jax.ShapeDtypeStruct((N, D), jnp.float32)] * 3,
    )(x, W_Q, W_K, W_V, b_Q, b_K, b_V)


_mesh = plsc.VectorSubcoreMesh(core_axis_name="c", subcore_axis_name="s")
_params = pltpu.CompilerParams(needs_layout_passes=False,
                               use_tc_tiling_on_sc=False)


@functools.partial(
    pl.kernel,
    out_type=(
        jax.ShapeDtypeStruct((E * H,), jnp.float32),
        jax.ShapeDtypeStruct((NPAD, H), jnp.float32),
        jax.ShapeDtypeStruct((NPAD, H), jnp.float32),
    ),
    mesh=_mesh,
    compiler_params=_params,
    scratch_types=(
        pltpu.VMEM((BE,), jnp.int32),
        pltpu.VMEM((BE,), jnp.int32),
        pltpu.VMEM((BE,), jnp.float32),
        pltpu.VMEM((BE, D), jnp.float32),
        pltpu.VMEM((BE, D), jnp.float32),
        pltpu.VMEM((BE, H), jnp.float32),
        pltpu.VMEM((BE * H,), jnp.float32),
        pltpu.VMEM((RPT, H), jnp.float32),
        pltpu.VMEM_SHARED((NPAD, H), jnp.float32),
        pltpu.SemaphoreType.DMA,
        pltpu.SemaphoreType.DMA,
    ),
)
def _sc_scores(q_hbm, k_hbm, src_hbm, dst_hbm, w_hbm, zero_hbm,
               ex_hbm, sp0_hbm, sp1_hbm,
               src_v, dst_v, w_v, q_v, k_v, x2_v, x1_v,
               bounce_v, s_sh,
               sem_q, sem_k):
    c = lax.axis_index("c")
    s = lax.axis_index("s")
    wid = s * 2 + c
    tbase = s * RPT

    iota = lax.iota(jnp.int32, 16)
    ge8 = (iota >> 3) & 1
    col8 = iota & 7

    pltpu.sync_copy(zero_hbm, s_sh.at[pl.ds(tbase, RPT)])
    plsc.subcore_barrier()

    def block_body(blk, carry):
        base = wid * EPW + blk * BE
        pltpu.sync_copy(src_hbm.at[pl.ds(base, BE)], src_v)
        pltpu.sync_copy(dst_hbm.at[pl.ds(base, BE)], dst_v)
        pltpu.sync_copy(w_hbm.at[pl.ds(base, BE)], w_v)
        cq = pltpu.async_copy(q_hbm.at[src_v], q_v, sem_q)
        ck = pltpu.async_copy(k_hbm.at[dst_v], k_v, sem_k)
        cq.wait()
        ck.wait()

        def pair_body(g, inner):
            e0 = 2 * g
            vecs = []
            for t in range(16):
                pi = _SLOT2PROD[t]
                e_l = pi // 8
                h = pi % 8
                qv = q_v[e0 + e_l, pl.ds(h * DK, DK)]
                kv = k_v[e0 + e_l, pl.ds(h * DK, DK)]
                vecs.append(qv * kv)
            for st in (8, 4, 2, 1):
                nxt = []
                for i in range(0, len(vecs), 2):
                    a, b = vecs[i], vecs[i + 1]
                    fa = a + _perm16(a, iota ^ st)
                    fb = b + _perm16(b, iota ^ st)
                    nxt.append(jnp.where((iota & st) == 0, fa, fb))
                vecs = nxt
            row_idx = e0 + ge8
            wvec = plsc.load_gather(w_v, [row_idx])
            exv = jnp.exp(vecs[0] * wvec * 0.25)
            plsc.store_scatter(x2_v, [row_idx, col8], exv)
            x1_v[pl.ds(16 * g, 16)] = exv
            return inner

        lax.fori_loop(0, BE // 2, pair_body, 0, unroll=2)
        pltpu.sync_copy(x1_v, ex_hbm.at[pl.ds(base * H, BE * H)])
        pltpu.sync_copy(x2_v, s_sh.at[dst_v], add=True)
        return carry

    lax.fori_loop(0, NBLK, block_body, 0)

    plsc.subcore_barrier()
    pltpu.sync_copy(s_sh.at[pl.ds(tbase, RPT)], bounce_v)

    @pl.when(c == 0)
    def _():
        pltpu.sync_copy(bounce_v, sp0_hbm.at[pl.ds(tbase, RPT)])

    @pl.when(c == 1)
    def _():
        pltpu.sync_copy(bounce_v, sp1_hbm.at[pl.ds(tbase, RPT)])


@functools.partial(
    pl.kernel,
    out_type=jax.ShapeDtypeStruct((E * H,), jnp.float32),
    mesh=_mesh,
    compiler_params=_params,
    scratch_types=(
        pltpu.VMEM((BE2,), jnp.int32),
        pltpu.VMEM((BE2 * H,), jnp.float32),
        pltpu.VMEM((BE2, H), jnp.float32),
        pltpu.VMEM((BE2, H), jnp.float32),
        pltpu.VMEM((BE2 * H,), jnp.float32),
        pltpu.SemaphoreType.DMA,
        pltpu.SemaphoreType.DMA,
    ),
)
def _sc_norm(ex_hbm, dst_hbm, sp0_hbm, sp1_hbm,
             att_hbm,
             dst_v, ex_v, s0_v, s1_v, att_v, sem0, sem1):
    c = lax.axis_index("c")
    s = lax.axis_index("s")
    wid = s * 2 + c

    iota = lax.iota(jnp.int32, 16)
    ge8 = (iota >> 3) & 1
    col8 = iota & 7

    def block_body(blk, carry):
        base = wid * EPW + blk * BE2
        pltpu.sync_copy(dst_hbm.at[pl.ds(base, BE2)], dst_v)
        pltpu.sync_copy(ex_hbm.at[pl.ds(base * H, BE2 * H)], ex_v)
        c0 = pltpu.async_copy(sp0_hbm.at[dst_v], s0_v, sem0)
        c1 = pltpu.async_copy(sp1_hbm.at[dst_v], s1_v, sem1)
        c0.wait()
        c1.wait()

        def pair_body(g, inner):
            row_idx = 2 * g + ge8
            exv = ex_v[pl.ds(16 * g, 16)]
            d0 = plsc.load_gather(s0_v, [row_idx, col8])
            d1 = plsc.load_gather(s1_v, [row_idx, col8])
            att_v[pl.ds(16 * g, 16)] = exv / (d0 + d1 + 1e-16)
            return inner

        lax.fori_loop(0, BE2 // 2, pair_body, 0)
        pltpu.sync_copy(att_v, att_hbm.at[pl.ds(base * H, BE2 * H)])
        return carry

    lax.fori_loop(0, NBLK2, block_body, 0)


def kernel(x, edge, edge_weights, W_Q, b_Q, W_K, b_K, W_V, b_V):
    perm = (np.arange(H)[None, :] * DK + np.arange(DK)[:, None]).reshape(-1)
    W_Vp = W_V[perm, :]
    b_Vp = b_V[perm]
    q, k, v = _projections(x, W_Q, W_K, W_Vp, b_Q, b_K, b_Vp)

    src = edge[0, :]
    dst = edge[1, :]
    zero = jnp.zeros((RPT, H), jnp.float32)
    ex, sp0, sp1 = _sc_scores(q, k, src, dst, edge_weights, zero)
    att = _sc_norm(ex, dst, sp0, sp1)
    attention = att.reshape(E, H)
    v_out = v.reshape(N, DK, H)
    return (attention, v_out)

# --- scband reference (transcript-rebuilt; emitter-appended) ---
"""Pipeline reference for scband-sp-graph-trans-attention-layer-34170759807545 (READ-ONLY COPY).

The authoritative reference and input builder live on the scoring server;
editing this copy changes nothing except your own understanding.
"""

import jax, jax.numpy as jnp
import numpy as np

N = 10000
E = 320000
D = 128
H = 8
DK = 16  # attention_dim // heads = 128 // 8


def setup_inputs(seed: int = 0) -> dict:
    key = jax.random.key(seed)
    ks = jax.random.split(key, 8)
    x = jax.random.normal(ks[0], (N, D), dtype=jnp.float32)
    edge = jax.random.randint(ks[1], (2, E), 0, N, dtype=jnp.int32)
    edge_weights = jax.random.uniform(ks[2], (E,), dtype=jnp.float32)
    scale = 0.05
    W_Q = jax.random.normal(ks[3], (D, D), dtype=jnp.float32) * scale
    b_Q = jnp.zeros((D,), jnp.float32)
    W_K = jax.random.normal(ks[4], (D, D), dtype=jnp.float32) * scale
    b_K = jnp.zeros((D,), jnp.float32)
    W_V = jax.random.normal(ks[5], (D, D), dtype=jnp.float32) * scale
    b_V = jnp.zeros((D,), jnp.float32)
    return {"x": x, "edge": edge, "edge_weights": edge_weights,
            "W_Q": W_Q, "b_Q": b_Q, "W_K": W_K, "b_K": b_K, "W_V": W_V, "b_V": b_V}


def _segment_softmax(scores, idx, num_segments):
    m = jax.ops.segment_max(scores, idx, num_segments=num_segments)
    m = jnp.where(jnp.isfinite(m), m, 0.0)
    m = jax.lax.stop_gradient(m)
    ex = jnp.exp(scores - m[idx])
    s = jax.ops.segment_sum(ex, idx, num_segments=num_segments)
    return ex / (s[idx] + 1e-16)


def reference(x, edge, edge_weights, W_Q, b_Q, W_K, b_K, W_V, b_V):
    q = x @ W_Q.T + b_Q
    k = x @ W_K.T + b_K
    v = x @ W_V.T + b_V
    q = q.reshape(-1, H, DK).transpose(0, 2, 1)  # [N, d_k, h]
    k = k.reshape(-1, H, DK).transpose(0, 2, 1)
    v = v.reshape(-1, H, DK).transpose(0, 2, 1)
    src = q[edge[0, :], :, :]      # [E, d_k, h]
    dst_k = k[edge[1, :], :, :]    # [E, d_k, h]
    prods = jnp.sum(src * dst_k, axis=1) / np.sqrt(DK)  # [E, h]
    prods = prods * edge_weights[:, None]
    # attention_norm_idx = 1 -> normalize over edges sharing the same dst node
    attention = _segment_softmax(prods, edge[1, :], N)
    return (attention, v)

if __name__ == "__main__":
    import jax
    _d = setup_inputs()
    print(jax.jit(kernel)(*tuple(_d.values())))

</pallas_src>

<mosaic_0001>
#map = affine_map<(d0, d1) -> (0, 0)>
#map1 = affine_map<(d0, d1) -> (0)>
module attributes {stable_mosaic.version = 14 : i64} {
  func.func @_sc_scores(%arg0: i32, %arg1: i32, %arg2: memref<10000x128xf32, #tpu.memory_space<hbm>>, %arg3: memref<10000x128xf32, #tpu.memory_space<hbm>>, %arg4: memref<320000xi32, #tpu.memory_space<hbm>>, %arg5: memref<320000xi32, #tpu.memory_space<hbm>>, %arg6: memref<320000xf32, #tpu.memory_space<hbm>>, %arg7: memref<640x8xf32, #tpu.memory_space<hbm>>, %arg8: memref<2560000xf32, #tpu.memory_space<hbm>>, %arg9: memref<10240x8xf32, #tpu.memory_space<hbm>>, %arg10: memref<10240x8xf32, #tpu.memory_space<hbm>>, %arg11: memref<400xi32, #tpu.memory_space<vmem>>, %arg12: memref<400xi32, #tpu.memory_space<vmem>>, %arg13: memref<400xf32, #tpu.memory_space<vmem>>, %arg14: memref<400x128xf32, #tpu.memory_space<vmem>>, %arg15: memref<400x128xf32, #tpu.memory_space<vmem>>, %arg16: memref<400x8xf32, #tpu.memory_space<vmem>>, %arg17: memref<3200xf32, #tpu.memory_space<vmem>>, %arg18: memref<640x8xf32, #tpu.memory_space<vmem>>, %arg19: memref<10240x8xf32, #tpu.memory_space<vmem_shared>>, %arg20: memref<!tpu.dma_semaphore, #tpu.memory_space<semaphore_mem>>, %arg21: memref<!tpu.dma_semaphore, #tpu.memory_space<semaphore_mem>>) attributes {dimension_semantics = [#tpu.dimension_semantics<core_parallel>, #tpu.dimension_semantics<subcore_parallel>], iteration_bounds = array<i64: 2, 16>, scalar_prefetch = 0 : i64, scratch_operands = 11 : i64, tpu.core_type = #tpu.core_type<sc_vector_subcore>, window_params = [{transform_indices = #map}, {transform_indices = #map}, {transform_indices = #map1}, {transform_indices = #map1}, {transform_indices = #map1}, {transform_indices = #map}, {transform_indices = #map1}, {transform_indices = #map}, {transform_indices = #map}]} {
    %mul3A = arith.constant 2 : i32
    %mul3A_0 = arith.muli %arg1, %mul3A : i32
    %add3A = arith.addi %mul3A_0, %arg0 : i32
    %mul3A_1 = arith.constant 640 : i32
    %mul3A_2 = arith.muli %arg1, %mul3A_1 : i32
    %iota3A = tpu.iota {dimensions = array<i32: 0>} : vector<16xi32>
    %shift_right_arithmetic3A = arith.constant 3 : i32
    %shift_right_arithmetic3A_3 = vector.broadcast %shift_right_arithmetic3A : i32 to vector<16xi32>
    %shift_right_arithmetic3A_4 = arith.shrsi %iota3A, %shift_right_arithmetic3A_3 : vector<16xi32>
    %and3A = arith.constant 1 : i32
    %and3A_5 = vector.broadcast %and3A : i32 to vector<16xi32>
    %and3A_6 = arith.andi %shift_right_arithmetic3A_4, %and3A_5 : vector<16xi32>
    %and3A_7 = arith.constant 7 : i32
    %and3A_8 = vector.broadcast %and3A_7 : i32 to vector<16xi32>
    %and3A_9 = arith.andi %iota3A, %and3A_8 : vector<16xi32>
    "tpu.region"() ({
      %run_scoped3A = tpu.sem_alloc : memref<!tpu.dma_semaphore, #tpu.memory_space<semaphore_mem>>
      %dma_start3A = arith.constant 0 : i32
      %dma_start3A_23 = tpu.memref_slice %arg19[%mul3A_2, %dma_start3A] : memref<10240x8xf32, #tpu.memory_space<vmem_shared>> -> memref<640x8xf32, #tpu.memory_space<vmem_shared>>
      tpu.enqueue_dma source(%arg7 : memref<640x8xf32, #tpu.memory_space<hbm>>) target(%dma_start3A_23 : memref<640x8xf32, #tpu.memory_space<vmem_shared>>) target_semaphore(%run_scoped3A : memref<!tpu.dma_semaphore, #tpu.memory_space<semaphore_mem>>)
      %dma_wait3A = arith.constant 0 : i32
      %dma_wait3A_24 = tpu.memref_slice %arg19[%mul3A_2, %dma_wait3A] : memref<10240x8xf32, #tpu.memory_space<vmem_shared>> -> memref<640x8xf32, #tpu.memory_space<vmem_shared>>
      tpu.wait_dma2 semaphore(%run_scoped3A : memref<!tpu.dma_semaphore, #tpu.memory_space<semaphore_mem>>) src(%arg7 : memref<640x8xf32, #tpu.memory_space<hbm>>) dst(%dma_wait3A_24 : memref<640x8xf32, #tpu.memory_space<vmem_shared>>)
      tpu.yield
    }) : () -> ()
    %barrier3A = arith.constant 0 : index
    tpu.barrier barrier_id(%barrier3A)
    %scan3A = arith.constant 0 : i32
    %scan3A_10 = arith.constant 0 : i32
    %scan3A_11 = arith.constant 25 : i32
    %scan3A_12 = arith.addi %scan3A_10, %scan3A_11 : i32
    %scan3A_13 = arith.constant 1 : i32
    scf.for %scan3A_23 = %scan3A_10 to %scan3A_12 step %scan3A_13  : i32 {
      %mul3A_24 = arith.constant 10000 : i32
      %mul3A_25 = arith.muli %add3A, %mul3A_24 : i32
      %mul3A_26 = arith.constant 400 : i32
      %mul3A_27 = arith.muli %scan3A_23, %mul3A_26 : i32
      %add3A_28 = arith.addi %mul3A_25, %mul3A_27 : i32
      "tpu.region"() ({
        %run_scoped3A = tpu.sem_alloc : memref<!tpu.dma_semaphore, #tpu.memory_space<semaphore_mem>>
        %dma_start3A_47 = tpu.memref_slice %arg4[%add3A_28] : memref<320000xi32, #tpu.memory_space<hbm>> -> memref<400xi32, #tpu.memory_space<hbm>>
        %dma_start3A_48 = tpu.memref_slice %arg4[%add3A_28] : memref<320000xi32, #tpu.memory_space<hbm>> -> memref<400xi32, #tpu.memory_space<hbm>>
        tpu.enqueue_dma source(%dma_start3A_48 : memref<400xi32, #tpu.memory_space<hbm>>) target(%arg11 : memref<400xi32, #tpu.memory_space<vmem>>) target_semaphore(%run_scoped3A : memref<!tpu.dma_semaphore, #tpu.memory_space<semaphore_mem>>)
        %dma_wait3A_49 = tpu.memref_slice %arg4[%add3A_28] : memref<320000xi32, #tpu.memory_space<hbm>> -> memref<400xi32, #tpu.memory_space<hbm>>
        %dma_wait3A_50 = tpu.memref_slice %arg4[%add3A_28] : memref<320000xi32, #tpu.memory_space<hbm>> -> memref<400xi32, #tpu.memory_space<hbm>>
        tpu.wait_dma2 semaphore(%run_scoped3A : memref<!tpu.dma_semaphore, #tpu.memory_space<semaphore_mem>>) src(%dma_wait3A_50 : memref<400xi32, #tpu.memory_space<hbm>>) dst(%arg11 : memref<400xi32, #tpu.memory_space<vmem>>)
        tpu.yield
      }) : () -> ()
      "tpu.region"() ({
        %run_scoped3A = tpu.sem_alloc : memref<!tpu.dma_semaphore, #tpu.memory_space<semaphore_mem>>
        %dma_start3A_47 = tpu.memref_slice %arg5[%add3A_28] : memref<320000xi32, #tpu.memory_space<hbm>> -> memref<400xi32, #tpu.memory_space<hbm>>
        %dma_start3A_48 = tpu.memref_slice %arg5[%add3A_28] : memref<320000xi32, #tpu.memory_space<hbm>> -> memref<400xi32, #tpu.memory_space<hbm>>
        tpu.enqueue_dma source(%dma_start3A_48 : memref<400xi32, #tpu.memory_space<hbm>>) target(%arg12 : memref<400xi32, #tpu.memory_space<vmem>>) target_semaphore(%run_scoped3A : memref<!tpu.dma_semaphore, #tpu.memory_space<semaphore_mem>>)
        %dma_wait3A_49 = tpu.memref_slice %arg5[%add3A_28] : memref<320000xi32, #tpu.memory_space<hbm>> -> memref<400xi32, #tpu.memory_space<hbm>>
        %dma_wait3A_50 = tpu.memref_slice %arg5[%add3A_28] : memref<320000xi32, #tpu.memory_space<hbm>> -> memref<400xi32, #tpu.memory_space<hbm>>
        tpu.wait_dma2 semaphore(%run_scoped3A : memref<!tpu.dma_semaphore, #tpu.memory_space<semaphore_mem>>) src(%dma_wait3A_50 : memref<400xi32, #tpu.memory_space<hbm>>) dst(%arg12 : memref<400xi32, #tpu.memory_space<vmem>>)
        tpu.yield
      }) : () -> ()
      "tpu.region"() ({
        %run_scoped3A = tpu.sem_alloc : memref<!tpu.dma_semaphore, #tpu.memory_space<semaphore_mem>>
        %dma_start3A_47 = tpu.memref_slice %arg6[%add3A_28] : memref<320000xf32, #tpu.memory_space<hbm>> -> memref<400xf32, #tpu.memory_space<hbm>>
        %dma_start3A_48 = tpu.memref_slice %arg6[%add3A_28] : memref<320000xf32, #tpu.memory_space<hbm>> -> memref<400xf32, #tpu.memory_space<hbm>>
        tpu.enqueue_dma source(%dma_start3A_48 : memref<400xf32, #tpu.memory_space<hbm>>) target(%arg13 : memref<400xf32, #tpu.memory_space<vmem>>) target_semaphore(%run_scoped3A : memref<!tpu.dma_semaphore, #tpu.memory_space<semaphore_mem>>)
        %dma_wait3A_49 = tpu.memref_slice %arg6[%add3A_28] : memref<320000xf32, #tpu.memory_space<hbm>> -> memref<400xf32, #tpu.memory_space<hbm>>
        %dma_wait3A_50 = tpu.memref_slice %arg6[%add3A_28] : memref<320000xf32, #tpu.memory_space<hbm>> -> memref<400xf32, #tpu.memory_space<hbm>>
        tpu.wait_dma2 semaphore(%run_scoped3A : memref<!tpu.dma_semaphore, #tpu.memory_space<semaphore_mem>>) src(%dma_wait3A_50 : memref<400xf32, #tpu.memory_space<hbm>>) dst(%arg13 : memref<400xf32, #tpu.memory_space<vmem>>)
        tpu.yield
      }) : () -> ()
      %dma_start3A = arith.constant 0 : i32
      %dma_start3A_29 = arith.constant 0 : i32
      %dma_start3A_30 = tpu.memref_slice %arg2[%dma_start3A, %dma_start3A_29] : memref<10000x128xf32, #tpu.memory_space<hbm>> -> memref<10000x128xf32, #tpu.memory_space<hbm>>
      tpu.enqueue_indirect_dma source(%dma_start3A_30 : memref<10000x128xf32, #tpu.memory_space<hbm>>) target(%arg14 : memref<400x128xf32, #tpu.memory_space<vmem>>) offsets(%arg11 : memref<400xi32, #tpu.memory_space<vmem>>) semaphore(%arg20 : memref<!tpu.dma_semaphore, #tpu.memory_space<semaphore_mem>>)
      %dma_start3A_31 = arith.constant 0 : i32
      %dma_start3A_32 = arith.constant 0 : i32
      %dma_start3A_33 = tpu.memref_slice %arg3[%dma_start3A_31, %dma_start3A_32] : memref<10000x128xf32, #tpu.memory_space<hbm>> -> memref<10000x128xf32, #tpu.memory_space<hbm>>
      tpu.enqueue_indirect_dma source(%dma_start3A_33 : memref<10000x128xf32, #tpu.memory_space<hbm>>) target(%arg15 : memref<400x128xf32, #tpu.memory_space<vmem>>) offsets(%arg12 : memref<400xi32, #tpu.memory_space<vmem>>) semaphore(%arg21 : memref<!tpu.dma_semaphore, #tpu.memory_space<semaphore_mem>>)
      %dma_wait3A = arith.constant 0 : i32
      %dma_wait3A_34 = arith.constant 0 : i32
      %dma_wait3A_35 = tpu.memref_slice %arg2[%dma_wait3A, %dma_wait3A_34] : memref<10000x128xf32, #tpu.memory_space<hbm>> -> memref<10000x128xf32, #tpu.memory_space<hbm>>
      tpu.wait_indirect_dma semaphore(%arg20 : memref<!tpu.dma_semaphore, #tpu.memory_space<semaphore_mem>>) src(%dma_wait3A_35 : memref<10000x128xf32, #tpu.memory_space<hbm>>) dst(%arg14 : memref<400x128xf32, #tpu.memory_space<vmem>>)
      %dma_wait3A_36 = arith.constant 0 : i32
      %dma_wait3A_37 = arith.constant 0 : i32
      %dma_wait3A_38 = tpu.memref_slice %arg3[%dma_wait3A_36, %dma_wait3A_37] : memref<10000x128xf32, #tpu.memory_space<hbm>> -> memref<10000x128xf32, #tpu.memory_space<hbm>>
      tpu.wait_indirect_dma semaphore(%arg21 : memref<!tpu.dma_semaphore, #tpu.memory_space<semaphore_mem>>) src(%dma_wait3A_38 : memref<10000x128xf32, #tpu.memory_space<hbm>>) dst(%arg15 : memref<400x128xf32, #tpu.memory_space<vmem>>)
      %scan3A_39 = arith.constant 0 : i32
      %scan3A_40 = arith.constant 0 : i32
      %scan3A_41 = arith.constant 200 : i32
      %scan3A_42 = arith.addi %scan3A_40, %scan3A_41 : i32
      %scan3A_43 = arith.constant 2 : i32
      scf.for %scan3A_47 = %scan3A_40 to %scan3A_42 step %scan3A_43  : i32 {
        %mul3A_48 = arith.constant 2 : i32
        %mul3A_49 = arith.muli %mul3A_48, %scan3A_47 : i32
        %add3A_50 = arith.constant 0 : i32
        %add3A_51 = arith.addi %mul3A_49, %add3A_50 : i32
        %get3A = arith.index_cast %add3A_51 : i32 to index
        %get3A_52 = arith.constant 0 : index
        %get3A_53 = tpu.vector_load %arg14[%get3A, %get3A_52] {strides = array<i32>} : memref<400x128xf32, #tpu.memory_space<vmem>>, vector<16xf32>,
        %add3A_54 = arith.constant 0 : i32
        %add3A_55 = arith.addi %mul3A_49, %add3A_54 : i32
        %get3A_56 = arith.index_cast %add3A_55 : i32 to index
        %get3A_57 = arith.constant 0 : index
        %get3A_58 = tpu.vector_load %arg15[%get3A_56, %get3A_57] {strides = array<i32>} : memref<400x128xf32, #tpu.memory_space<vmem>>, vector<16xf32>,
        %mul3A_59 = arith.mulf %get3A_53, %get3A_58 : vector<16xf32>
        %add3A_60 = arith.constant 1 : i32
        %add3A_61 = arith.addi %mul3A_49, %add3A_60 : i32
        %get3A_62 = arith.index_cast %add3A_61 : i32 to index
        %get3A_63 = arith.constant 0 : index
        %get3A_64 = tpu.vector_load %arg14[%get3A_62, %get3A_63] {strides = array<i32>} : memref<400x128xf32, #tpu.memory_space<vmem>>, vector<16xf32>,
        %add3A_65 = arith.constant 1 : i32
        %add3A_66 = arith.addi %mul3A_49, %add3A_65 : i32
        %get3A_67 = arith.index_cast %add3A_66 : i32 to index
        %get3A_68 = arith.constant 0 : index
        %get3A_69 = tpu.vector_load %arg15[%get3A_67, %get3A_68] {strides = array<i32>} : memref<400x128xf32, #tpu.memory_space<vmem>>, vector<16xf32>,
        %mul3A_70 = arith.mulf %get3A_64, %get3A_69 : vector<16xf32>
        %add3A_71 = arith.constant 0 : i32
        %add3A_72 = arith.addi %mul3A_49, %add3A_71 : i32
        %get3A_73 = arith.index_cast %add3A_72 : i32 to index
        %get3A_74 = arith.constant 64 : index
        %get3A_75 = tpu.vector_load %arg14[%get3A_73, %get3A_74] {strides = array<i32>} : memref<400x128xf32, #tpu.memory_space<vmem>>, vector<16xf32>,
        %add3A_76 = arith.constant 0 : i32
        %add3A_77 = arith.addi %mul3A_49, %add3A_76 : i32
        %get3A_78 = arith.index_cast %add3A_77 : i32 to index
        %get3A_79 = arith.constant 64 : index
        %get3A_80 = tpu.vector_load %arg15[%get3A_78, %get3A_79] {strides = array<i32>} : memref<400x128xf32, #tpu.memory_space<vmem>>, vector<16xf32>,
        %mul3A_81 = arith.mulf %get3A_75, %get3A_80 : vector<16xf32>
        %add3A_82 = arith.constant 1 : i32
        %add3A_83 = arith.addi %mul3A_49, %add3A_82 : i32
        %get3A_84 = arith.index_cast %add3A_83 : i32 to index
        %get3A_85 = arith.constant 64 : index
        %get3A_86 = tpu.vector_load %arg14[%get3A_84, %get3A_85] {strides = array<i32>} : memref<400x128xf32, #tpu.memory_space<vmem>>, vector<16xf32>,
        %add3A_87 = arith.constant 1 : i32
        %add3A_88 = arith.addi %mul3A_49, %add3A_87 : i32
        %get3A_89 = arith.index_cast %add3A_88 : i32 to index
        %get3A_90 = arith.constant 64 : index
        %get3A_91 = tpu.vector_load %arg15[%get3A_89, %get3A_90] {strides = array<i32>} : memref<400x128xf32, #tpu.memory_space<vmem>>, vector<16xf32>,
        %mul3A_92 = arith.mulf %get3A_86, %get3A_91 : vector<16xf32>
        %add3A_93 = arith.constant 0 : i32
        %add3A_94 = arith.addi %mul3A_49, %add3A_93 : i32
        %get3A_95 = arith.index_cast %add3A_94 : i32 to index
        %get3A_96 = arith.constant 32 : index
        %get3A_97 = tpu.vector_load %arg14[%get3A_95, %get3A_96] {strides = array<i32>} : memref<400x128xf32, #tpu.memory_space<vmem>>, vector<16xf32>,
        %add3A_98 = arith.constant 0 : i32
        %add3A_99 = arith.addi %mul3A_49, %add3A_98 : i32
        %get3A_100 = arith.index_cast %add3A_99 : i32 to index
        %get3A_101 = arith.constant 32 : index
        %get3A_102 = tpu.vector_load %arg15[%get3A_100, %get3A_101] {strides = array<i32>} : memref<400x128xf32, #tpu.memory_space<vmem>>, vector<16xf32>,
        %mul3A_103 = arith.mulf %get3A_97, %get3A_102 : vector<16xf32>
        %add3A_104 = arith.constant 1 : i32
        %add3A_105 = arith.addi %mul3A_49, %add3A_104 : i32
        %get3A_106 = arith.index_cast %add3A_105 : i32 to index
        %get3A_107 = arith.constant 32 : index
        %get3A_108 = tpu.vector_load %arg14[%get3A_106, %get3A_107] {strides = array<i32>} : memref<400x128xf32, #tpu.memory_space<vmem>>, vector<16xf32>,
        %add3A_109 = arith.constant 1 : i32
        %add3A_110 = arith.addi %mul3A_49, %add3A_109 : i32
        %get3A_111 = arith.index_cast %add3A_110 : i32 to index
        %get3A_112 = arith.constant 32 : index
        %get3A_113 = tpu.vector_load %arg15[%get3A_111, %get3A_112] {strides = array<i32>} : memref<400x128xf32, #tpu.memory_space<vmem>>, vector<16xf32>,
        %mul3A_114 = arith.mulf %get3A_108, %get3A_113 : vector<16xf32>
        %add3A_115 = arith.constant 0 : i32
        %add3A_116 = arith.addi %mul3A_49, %add3A_115 : i32
        %get3A_117 = arith.index_cast %add3A_116 : i32 to index
        %get3A_118 = arith.constant 96 : index
        %get3A_119 = tpu.vector_load %arg14[%get3A_117, %get3A_118] {strides = array<i32>} : memref<400x128xf32, #tpu.memory_space<vmem>>, vector<16xf32>,
        %add3A_120 = arith.constant 0 : i32
        %add3A_121 = arith.addi %mul3A_49, %add3A_120 : i32
        %get3A_122 = arith.index_cast %add3A_121 : i32 to index
        %get3A_123 = arith.constant 96 : index
        %get3A_124 = tpu.vector_load %arg15[%get3A_122, %get3A_123] {strides = array<i32>} : memref<400x128xf32, #tpu.memory_space<vmem>>, vector<16xf32>,
        %mul3A_125 = arith.mulf %get3A_119, %get3A_124 : vector<16xf32>
        %add3A_126 = arith.constant 1 : i32
        %add3A_127 = arith.addi %mul3A_49, %add3A_126 : i32
        %get3A_128 = arith.index_cast %add3A_127 : i32 to index
        %get3A_129 = arith.constant 96 : index
        %get3A_130 = tpu.vector_load %arg14[%get3A_128, %get3A_129] {strides = array<i32>} : memref<400x128xf32, #tpu.memory_space<vmem>>, vector<16xf32>,
        %add3A_131 = arith.constant 1 : i32
        %add3A_132 = arith.addi %mul3A_49, %add3A_131 : i32
        %get3A_133 = arith.index_cast %add3A_132 : i32 to index
        %get3A_134 = arith.constant 96 : index
        %get3A_135 = tpu.vector_load %arg15[%get3A_133, %get3A_134] {strides = array<i32>} : memref<400x128xf32, #tpu.memory_space<vmem>>, vector<16xf32>,
        %mul3A_136 = arith.mulf %get3A_130, %get3A_135 : vector<16xf32>
        %add3A_137 = arith.constant 0 : i32
        %add3A_138 = arith.addi %mul3A_49, %add3A_137 : i32
        %get3A_139 = arith.index_cast %add3A_138 : i32 to index
        %get3A_140 = arith.constant 16 : index
        %get3A_141 = tpu.vector_load %arg14[%get3A_139, %get3A_140] {strides = array<i32>} : memref<400x128xf32, #tpu.memory_space<vmem>>, vector<16xf32>,
        %add3A_142 = arith.constant 0 : i32
        %add3A_143 = arith.addi %mul3A_49, %add3A_142 : i32
        %get3A_144 = arith.index_cast %add3A_143 : i32 to index
        %get3A_145 = arith.constant 16 : index
        %get3A_146 = tpu.vector_load %arg15[%get3A_144, %get3A_145] {strides = array<i32>} : memref<400x128xf32, #tpu.memory_space<vmem>>, vector<16xf32>,
        %mul3A_147 = arith.mulf %get3A_141, %get3A_146 : vector<16xf32>
        %add3A_148 = arith.constant 1 : i32
        %add3A_149 = arith.addi %mul3A_49, %add3A_148 : i32
        %get3A_150 = arith.index_cast %add3A_149 : i32 to index
        %get3A_151 = arith.constant 16 : index
        %get3A_152 = tpu.vector_load %arg14[%get3A_150, %get3A_151] {strides = array<i32>} : memref<400x128xf32, #tpu.memory_space<vmem>>, vector<16xf32>,
        %add3A_153 = arith.constant 1 : i32
        %add3A_154 = arith.addi %mul3A_49, %add3A_153 : i32
        %get3A_155 = arith.index_cast %add3A_154 : i32 to index
        %get3A_156 = arith.constant 16 : index
        %get3A_157 = tpu.vector_load %arg15[%get3A_155, %get3A_156] {strides = array<i32>} : memref<400x128xf32, #tpu.memory_space<vmem>>, vector<16xf32>,
        %mul3A_158 = arith.mulf %get3A_152, %get3A_157 : vector<16xf32>
        %add3A_159 = arith.constant 0 : i32
        %add3A_160 = arith.addi %mul3A_49, %add3A_159 : i32
        %get3A_161 = arith.index_cast %add3A_160 : i32 to index
        %get3A_162 = arith.constant 80 : index
        %get3A_163 = tpu.vector_load %arg14[%get3A_161, %get3A_162] {strides = array<i32>} : memref<400x128xf32, #tpu.memory_space<vmem>>, vector<16xf32>,
        %add3A_164 = arith.constant 0 : i32
        %add3A_165 = arith.addi %mul3A_49, %add3A_164 : i32
        %get3A_166 = arith.index_cast %add3A_165 : i32 to index
        %get3A_167 = arith.constant 80 : index
        %get3A_168 = tpu.vector_load %arg15[%get3A_166, %get3A_167] {strides = array<i32>} : memref<400x128xf32, #tpu.memory_space<vmem>>, vector<16xf32>,
        %mul3A_169 = arith.mulf %get3A_163, %get3A_168 : vector<16xf32>
        %add3A_170 = arith.constant 1 : i32
        %add3A_171 = arith.addi %mul3A_49, %add3A_170 : i32
        %get3A_172 = arith.index_cast %add3A_171 : i32 to index
        %get3A_173 = arith.constant 80 : index
        %get3A_174 = tpu.vector_load %arg14[%get3A_172, %get3A_173] {strides = array<i32>} : memref<400x128xf32, #tpu.memory_space<vmem>>, vector<16xf32>,
        %add3A_175 = arith.constant 1 : i32
        %add3A_176 = arith.addi %mul3A_49, %add3A_175 : i32
        %get3A_177 = arith.index_cast %add3A_176 : i32 to index
        %get3A_178 = arith.constant 80 : index
        %get3A_179 = tpu.vector_load %arg15[%get3A_177, %get3A_178] {strides = array<i32>} : memref<400x128xf32, #tpu.memory_space<vmem>>, vector<16xf32>,
        %mul3A_180 = arith.mulf %get3A_174, %get3A_179 : vector<16xf32>
        %add3A_181 = arith.constant 0 : i32
        %add3A_182 = arith.addi %mul3A_49, %add3A_181 : i32
        %get3A_183 = arith.index_cast %add3A_182 : i32 to index
        %get3A_184 = arith.constant 48 : index
        %get3A_185 = tpu.vector_load %arg14[%get3A_183, %get3A_184] {strides = array<i32>} : memref<400x128xf32, #tpu.memory_space<vmem>>, vector<16xf32>,
        %add3A_186 = arith.constant 0 : i32
        %add3A_187 = arith.addi %mul3A_49, %add3A_186 : i32
        %get3A_188 = arith.index_cast %add3A_187 : i32 to index
        %get3A_189 = arith.constant 48 : index
        %get3A_190 = tpu.vector_load %arg15[%get3A_188, %get3A_189] {strides = array<i32>} : memref<400x128xf32, #tpu.memory_space<vmem>>, vector<16xf32>,
        %mul3A_191 = arith.mulf %get3A_185, %get3A_190 : vector<16xf32>
        %add3A_192 = arith.constant 1 : i32
        %add3A_193 = arith.addi %mul3A_49, %add3A_192 : i32
        %get3A_194 = arith.index_cast %add3A_193 : i32 to index
        %get3A_195 = arith.constant 48 : index
        %get3A_196 = tpu.vector_load %arg14[%get3A_194, %get3A_195] {strides = array<i32>} : memref<400x128xf32, #tpu.memory_space<vmem>>, vector<16xf32>,
        %add3A_197 = arith.constant 1 : i32
        %add3A_198 = arith.addi %mul3A_49, %add3A_197 : i32
        %get3A_199 = arith.index_cast %add3A_198 : i32 to index
        %get3A_200 = arith.constant 48 : index
        %get3A_201 = tpu.vector_load %arg15[%get3A_199, %get3A_200] {strides = array<i32>} : memref<400x128xf32, #tpu.memory_space<vmem>>, vector<16xf32>,
        %mul3A_202 = arith.mulf %get3A_196, %get3A_201 : vector<16xf32>
        %add3A_203 = arith.constant 0 : i32
        %add3A_204 = arith.addi %mul3A_49, %add3A_203 : i32
        %get3A_205 = arith.index_cast %add3A_204 : i32 to index
        %get3A_206 = arith.constant 112 : index
        %get3A_207 = tpu.vector_load %arg14[%get3A_205, %get3A_206] {strides = array<i32>} : memref<400x128xf32, #tpu.memory_space<vmem>>, vector<16xf32>,
        %add3A_208 = arith.constant 0 : i32
        %add3A_209 = arith.addi %mul3A_49, %add3A_208 : i32
        %get3A_210 = arith.index_cast %add3A_209 : i32 to index
        %get3A_211 = arith.constant 112 : index
        %get3A_212 = tpu.vector_load %arg15[%get3A_210, %get3A_211] {strides = array<i32>} : memref<400x128xf32, #tpu.memory_space<vmem>>, vector<16xf32>,
        %mul3A_213 = arith.mulf %get3A_207, %get3A_212 : vector<16xf32>
        %add3A_214 = arith.constant 1 : i32
        %add3A_215 = arith.addi %mul3A_49, %add3A_214 : i32
        %get3A_216 = arith.index_cast %add3A_215 : i32 to index
        %get3A_217 = arith.constant 112 : index
        %get3A_218 = tpu.vector_load %arg14[%get3A_216, %get3A_217] {strides = array<i32>} : memref<400x128xf32, #tpu.memory_space<vmem>>, vector<16xf32>,
        %add3A_219 = arith.constant 1 : i32
        %add3A_220 = arith.addi %mul3A_49, %add3A_219 : i32
        %get3A_221 = arith.index_cast %add3A_220 : i32 to index
        %get3A_222 = arith.constant 112 : index
        %get3A_223 = tpu.vector_load %arg15[%get3A_221, %get3A_222] {strides = array<i32>} : memref<400x128xf32, #tpu.memory_space<vmem>>, vector<16xf32>,
        %mul3A_224 = arith.mulf %get3A_218, %get3A_223 : vector<16xf32>
        %xor3A = arith.constant 8 : i32
        %xor3A_225 = vector.broadcast %xor3A : i32 to vector<16xi32>
        %xor3A_226 = arith.xori %iota3A, %xor3A_225 : vector<16xi32>
        %broadcast_in_dim3A = vector.shape_cast %xor3A_226 : vector<16xi32> to vector<16x1xi32>
        %gather3A = vector.shape_cast %broadcast_in_dim3A : vector<16x1xi32> to vector<16xi32>
        %gather3A_227 = tpu.dynamic_gather %mul3A_59[%gather3A] in [0] : vector<16xf32>, vector<16xi32> -> vector<16xf32>
        %add3A_228 = arith.addf %mul3A_59, %gather3A_227 : vector<16xf32>
        %xor3A_229 = arith.constant 8 : i32
        %xor3A_230 = vector.broadcast %xor3A_229 : i32 to vector<16xi32>
        %xor3A_231 = arith.xori %iota3A, %xor3A_230 : vector<16xi32>
        %broadcast_in_dim3A_232 = vector.shape_cast %xor3A_231 : vector<16xi32> to vector<16x1xi32>
        %gather3A_233 = vector.shape_cast %broadcast_in_dim3A_232 : vector<16x1xi32> to vector<16xi32>
        %gather3A_234 = tpu.dynamic_gather %mul3A_70[%gather3A_233] in [0] : vector<16xf32>, vector<16xi32> -> vector<16xf32>
        %add3A_235 = arith.addf %mul3A_70, %gather3A_234 : vector<16xf32>
        %and3A_236 = arith.constant 8 : i32
        %and3A_237 = vector.broadcast %and3A_236 : i32 to vector<16xi32>
        %and3A_238 = arith.andi %iota3A, %and3A_237 : vector<16xi32>
        %eq3A_239 = arith.constant 0 : i32
        %eq3A_240 = vector.broadcast %eq3A_239 : i32 to vector<16xi32>
        %eq3A_241 = arith.cmpi eq, %and3A_238, %eq3A_240 : vector<16xi32>
        %select_n3A = arith.select %eq3A_241, %add3A_228, %add3A_235 : vector<16xi1>, vector<16xf32>
        %xor3A_242 = arith.constant 8 : i32
        %xor3A_243 = vector.broadcast %xor3A_242 : i32 to vector<16xi32>
        %xor3A_244 = arith.xori %iota3A, %xor3A_243 : vector<16xi32>
        %broadcast_in_dim3A_245 = vector.shape_cast %xor3A_244 : vector<16xi32> to vector<16x1xi32>
        %gather3A_246 = vector.shape_cast %broadcast_in_dim3A_245 : vector<16x1xi32> to vector<16xi32>
        %gather3A_247 = tpu.dynamic_gather %mul3A_81[%gather3A_246] in [0] : vector<16xf32>, vector<16xi32> -> vector<16xf32>
        %add3A_248 = arith.addf %mul3A_81, %gather3A_247 : vector<16xf32>
        %xor3A_249 = arith.constant 8 : i32
        %xor3A_250 = vector.broadcast %xor3A_249 : i32 to vector<16xi32>
        %xor3A_251 = arith.xori %iota3A, %xor3A_250 : vector<16xi32>
        %broadcast_in_dim3A_252 = vector.shape_cast %xor3A_251 : vector<16xi32> to vector<16x1xi32>
        %gather3A_253 = vector.shape_cast %broadcast_in_dim3A_252 : vector<16x1xi32> to vector<16xi32>
        %gather3A_254 = tpu.dynamic_gather %mul3A_92[%gather3A_253] in [0] : vector<16xf32>, vector<16xi32> -> vector<16xf32>
        %add3A_255 = arith.addf %mul3A_92, %gather3A_254 : vector<16xf32>
        %and3A_256 = arith.constant 8 : i32
        %and3A_257 = vector.broadcast %and3A_256 : i32 to vector<16xi32>
        %and3A_258 = arith.andi %iota3A, %and3A_257 : vector<16xi32>
        %eq3A_259 = arith.constant 0 : i32
        %eq3A_260 = vector.broadcast %eq3A_259 : i32 to vector<16xi32>
        %eq3A_261 = arith.cmpi eq, %and3A_258, %eq3A_260 : vector<16xi32>
        %select_n3A_262 = arith.select %eq3A_261, %add3A_248, %add3A_255 : vector<16xi1>, vector<16xf32>
        %xor3A_263 = arith.constant 8 : i32
        %xor3A_264 = vector.broadcast %xor3A_263 : i32 to vector<16xi32>
        %xor3A_265 = arith.xori %iota3A, %xor3A_264 : vector<16xi32>
        %broadcast_in_dim3A_266 = vector.shape_cast %xor3A_265 : vector<16xi32> to vector<16x1xi32>
        %gather3A_267 = vector.shape_cast %broadcast_in_dim3A_266 : vector<16x1xi32> to vector<16xi32>
        %gather3A_268 = tpu.dynamic_gather %mul3A_103[%gather3A_267] in [0] : vector<16xf32>, vector<16xi32> -> vector<16xf32>
        %add3A_269 = arith.addf %mul3A_103, %gather3A_268 : vector<16xf32>
        %xor3A_270 = arith.constant 8 : i32
        %xor3A_271 = vector.broadcast %xor3A_270 : i32 to vector<16xi32>
        %xor3A_272 = arith.xori %iota3A, %xor3A_271 : vector<16xi32>
        %broadcast_in_dim3A_273 = vector.shape_cast %xor3A_272 : vector<16xi32> to vector<16x1xi32>
        %gather3A_274 = vector.shape_cast %broadcast_in_dim3A_273 : vector<16x1xi32> to vector<16xi32>
        %gather3A_275 = tpu.dynamic_gather %mul3A_114[%gather3A_274] in [0] : vector<16xf32>, vector<16xi32> -> vector<16xf32>
        %add3A_276 = arith.addf %mul3A_114, %gather3A_275 : vector<16xf32>
        %and3A_277 = arith.constant 8 : i32
        %and3A_278 = vector.broadcast %and3A_277 : i32 to vector<16xi32>
        %and3A_279 = arith.andi %iota3A, %and3A_278 : vector<16xi32>
        %eq3A_280 = arith.constant 0 : i32
        %eq3A_281 = vector.broadcast %eq3A_280 : i32 to vector<16xi32>
        %eq3A_282 = arith.cmpi eq, %and3A_279, %eq3A_281 : vector<16xi32>
        %select_n3A_283 = arith.select %eq3A_282, %add3A_269, %add3A_276 : vector<16xi1>, vector<16xf32>
        %xor3A_284 = arith.constant 8 : i32
        %xor3A_285 = vector.broadcast %xor3A_284 : i32 to vector<16xi32>
        %xor3A_286 = arith.xori %iota3A, %xor3A_285 : vector<16xi32>
        %broadcast_in_dim3A_287 = vector.shape_cast %xor3A_286 : vector<16xi32> to vector<16x1xi32>
        %gather3A_288 = vector.shape_cast %broadcast_in_dim3A_287 : vector<16x1xi32> to vector<16xi32>
        %gather3A_289 = tpu.dynamic_gather %mul3A_125[%gather3A_288] in [0] : vector<16xf32>, vector<16xi32> -> vector<16xf32>
        %add3A_290 = arith.addf %mul3A_125, %gather3A_289 : vector<16xf32>
        %xor3A_291 = arith.constant 8 : i32
        %xor3A_292 = vector.broadcast %xor3A_291 : i32 to vector<16xi32>
        %xor3A_293 = arith.xori %iota3A, %xor3A_292 : vector<16xi32>
        %broadcast_in_dim3A_294 = vector.shape_cast %xor3A_293 : vector<16xi32> to vector<16x1xi32>
        %gather3A_295 = vector.shape_cast %broadcast_in_dim3A_294 : vector<16x1xi32> to vector<16xi32>
        %gather3A_296 = tpu.dynamic_gather %mul3A_136[%gather3A_295] in [0] : vector<16xf32>, vector<16xi32> -> vector<16xf32>
        %add3A_297 = arith.addf %mul3A_136, %gather3A_296 : vector<16xf32>
        %and3A_298 = arith.constant 8 : i32
        %and3A_299 = vector.broadcast %and3A_298 : i32 to vector<16xi32>
        %and3A_300 = arith.andi %iota3A, %and3A_299 : vector<16xi32>
        %eq3A_301 = arith.constant 0 : i32
        %eq3A_302 = vector.broadcast %eq3A_301 : i32 to vector<16xi32>
        %eq3A_303 = arith.cmpi eq, %and3A_300, %eq3A_302 : vector<16xi32>
        %select_n3A_304 = arith.select %eq3A_303, %add3A_290, %add3A_297 : vector<16xi1>, vector<16xf32>
        %xor3A_305 = arith.constant 8 : i32
        %xor3A_306 = vector.broadcast %xor3A_305 : i32 to vector<16xi32>
        %xor3A_307 = arith.xori %iota3A, %xor3A_306 : vector<16xi32>
        %broadcast_in_dim3A_308 = vector.shape_cast %xor3A_307 : vector<16xi32> to vector<16x1xi32>
        %gather3A_309 = vector.shape_cast %broadcast_in_dim3A_308 : vector<16x1xi32> to vector<16xi32>
        %gather3A_310 = tpu.dynamic_gather %mul3A_147[%gather3A_309] in [0] : vector<16xf32>, vector<16xi32> -> vector<16xf32>
        %add3A_311 = arith.addf %mul3A_147, %gather3A_310 : vector<16xf32>
        %xor3A_312 = arith.constant 8 : i32
        %xor3A_313 = vector.broadcast %xor3A_312 : i32 to vector<16xi32>
        %xor3A_314 = arith.xori %iota3A, %xor3A_313 : vector<16xi32>
        %broadcast_in_dim3A_315 = vector.shape_cast %xor3A_314 : vector<16xi32> to vector<16x1xi32>
        %gather3A_316 = vector.shape_cast %broadcast_in_dim3A_315 : vector<16x1xi32> to vector<16xi32>
        %gather3A_317 = tpu.dynamic_gather %mul3A_158[%gather3A_316] in [0] : vector<16xf32>, vector<16xi32> -> vector<16xf32>
        %add3A_318 = arith.addf %mul3A_158, %gather3A_317 : vector<16xf32>
        %and3A_319 = arith.constant 8 : i32
        %and3A_320 = vector.broadcast %and3A_319 : i32 to vector<16xi32>
        %and3A_321 = arith.andi %iota3A, %and3A_320 : vector<16xi32>
        %eq3A_322 = arith.constant 0 : i32
        %eq3A_323 = vector.broadcast %eq3A_322 : i32 to vector<16xi32>
        %eq3A_324 = arith.cmpi eq, %and3A_321, %eq3A_323 : vector<16xi32>
        %select_n3A_325 = arith.select %eq3A_324, %add3A_311, %add3A_318 : vector<16xi1>, vector<16xf32>
        %xor3A_326 = arith.constant 8 : i32
        %xor3A_327 = vector.broadcast %xor3A_326 : i32 to vector<16xi32>
        %xor3A_328 = arith.xori %iota3A, %xor3A_327 : vector<16xi32>
        %broadcast_in_dim3A_329 = vector.shape_cast %xor3A_328 : vector<16xi32> to vector<16x1xi32>
        %gather3A_330 = vector.shape_cast %broadcast_in_dim3A_329 : vector<16x1xi32> to vector<16xi32>
        %gather3A_331 = tpu.dynamic_gather %mul3A_169[%gather3A_330] in [0] : vector<16xf32>, vector<16xi32> -> vector<16xf32>
        %add3A_332 = arith.addf %mul3A_169, %gather3A_331 : vector<16xf32>
        %xor3A_333 = arith.constant 8 : i32
        %xor3A_334 = vector.broadcast %xor3A_333 : i32 to vector<16xi32>
        %xor3A_335 = arith.xori %iota3A, %xor3A_334 : vector<16xi32>
        %broadcast_in_dim3A_336 = vector.shape_cast %xor3A_335 : vector<16xi32> to vector<16x1xi32>
        %gather3A_337 = vector.shape_cast %broadcast_in_dim3A_336 : vector<16x1xi32> to vector<16xi32>
        %gather3A_338 = tpu.dynamic_gather %mul3A_180[%gather3A_337] in [0] : vector<16xf32>, vector<16xi32> -> vector<16xf32>
        %add3A_339 = arith.addf %mul3A_180, %gather3A_338 : vector<16xf32>
        %and3A_340 = arith.constant 8 : i32
        %and3A_341 = vector.broadcast %and3A_340 : i32 to vector<16xi32>
        %and3A_342 = arith.andi %iota3A, %and3A_341 : vector<16xi32>
        %eq3A_343 = arith.constant 0 : i32
        %eq3A_344 = vector.broadcast %eq3A_343 : i32 to vector<16xi32>
        %eq3A_345 = arith.cmpi eq, %and3A_342, %eq3A_344 : vector<16xi32>
        %select_n3A_346 = arith.select %eq3A_345, %add3A_332, %add3A_339 : vector<16xi1>, vector<16xf32>
        %xor3A_347 = arith.constant 8 : i32
        %xor3A_348 = vector.broadcast %xor3A_347 : i32 to vector<16xi32>
        %xor3A_349 = arith.xori %iota3A, %xor3A_348 : vector<16xi32>
        %broadcast_in_dim3A_350 = vector.shape_cast %xor3A_349 : vector<16xi32> to vector<16x1xi32>
        %gather3A_351 = vector.shape_cast %broadcast_in_dim3A_350 : vector<16x1xi32> to vector<16xi32>
        %gather3A_352 = tpu.dynamic_gather %mul3A_191[%gather3A_351] in [0] : vector<16xf32>, vector<16xi32> -> vector<16xf32>
        %add3A_353 = arith.addf %mul3A_191, %gather3A_352 : vector<16xf32>
        %xor3A_354 = arith.constant 8 : i32
        %xor3A_355 = vector.broadcast %xor3A_354 : i32 to vector<16xi32>
        %xor3A_356 = arith.xori %iota3A, %xor3A_355 : vector<16xi32>
        %broadcast_in_dim3A_357 = vector.shape_cast %xor3A_356 : vector<16xi32> to vector<16x1xi32>
        %gather3A_358 = vector.shape_cast %broadcast_in_dim3A_357 : vector<16x1xi32> to vector<16xi32>
        %gather3A_359 = tpu.dynamic_gather %mul3A_202[%gather3A_358] in [0] : vector<16xf32>, vector<16xi32> -> vector<16xf32>
        %add3A_360 = arith.addf %mul3A_202, %gather3A_359 : vector<16xf32>
        %and3A_361 = arith.constant 8 : i32
        %and3A_362 = vector.broadcast %and3A_361 : i32 to vector<16xi32>
        %and3A_363 = arith.andi %iota3A, %and3A_362 : vector<16xi32>
        %eq3A_364 = arith.constant 0 : i32
        %eq3A_365 = vector.broadcast %eq3A_364 : i32 to vector<16xi32>
        %eq3A_366 = arith.cmpi eq, %and3A_363, %eq3A_365 : vector<16xi32>
        %select_n3A_367 = arith.select %eq3A_366, %add3A_353, %add3A_360 : vector<16xi1>, vector<16xf32>
        %xor3A_368 = arith.constant 8 : i32
        %xor3A_369 = vector.broadcast %xor3A_368 : i32 to vector<16xi32>
        %xor3A_370 = arith.xori %iota3A, %xor3A_369 : vector<16xi32>
        %broadcast_in_dim3A_371 = vector.shape_cast %xor3A_370 : vector<16xi32> to vector<16x1xi32>
        %gather3A_372 = vector.shape_cast %broadcast_in_dim3A_371 : vector<16x1xi32> to vector<16xi32>
        %gather3A_373 = tpu.dynamic_gather %mul3A_213[%gather3A_372] in [0] : vector<16xf32>, vector<16xi32> -> vector<16xf32>
        %add3A_374 = arith.addf %mul3A_213, %gather3A_373 : vector<16xf32>
        %xor3A_375 = arith.constant 8 : i32
        %xor3A_376 = vector.broadcast %xor3A_375 : i32 to vector<16xi32>
        %xor3A_377 = arith.xori %iota3A, %xor3A_376 : vector<16xi32>
        %broadcast_in_dim3A_378 = vector.shape_cast %xor3A_377 : vector<16xi32> to vector<16x1xi32>
        %gather3A_379 = vector.shape_cast %broadcast_in_dim3A_378 : vector<16x1xi32> to vector<16xi32>
        %gather3A_380 = tpu.dynamic_gather %mul3A_224[%gather3A_379] in [0] : vector<16xf32>, vector<16xi32> -> vector<16xf32>
        %add3A_381 = arith.addf %mul3A_224, %gather3A_380 : vector<16xf32>
        %and3A_382 = arith.constant 8 : i32
        %and3A_383 = vector.broadcast %and3A_382 : i32 to vector<16xi32>
        %and3A_384 = arith.andi %iota3A, %and3A_383 : vector<16xi32>
        %eq3A_385 = arith.constant 0 : i32
        %eq3A_386 = vector.broadcast %eq3A_385 : i32 to vector<16xi32>
        %eq3A_387 = arith.cmpi eq, %and3A_384, %eq3A_386 : vector<16xi32>
        %select_n3A_388 = arith.select %eq3A_387, %add3A_374, %add3A_381 : vector<16xi1>, vector<16xf32>
        %xor3A_389 = arith.constant 4 : i32
        %xor3A_390 = vector.broadcast %xor3A_389 : i32 to vector<16xi32>
        %xor3A_391 = arith.xori %iota3A, %xor3A_390 : vector<16xi32>
        %broadcast_in_dim3A_392 = vector.shape_cast %xor3A_391 : vector<16xi32> to vector<16x1xi32>
        %gather3A_393 = vector.shape_cast %broadcast_in_dim3A_392 : vector<16x1xi32> to vector<16xi32>
        %gather3A_394 = tpu.dynamic_gather %select_n3A[%gather3A_393] in [0] : vector<16xf32>, vector<16xi32> -> vector<16xf32>
        %add3A_395 = arith.addf %select_n3A, %gather3A_394 : vector<16xf32>
        %xor3A_396 = arith.constant 4 : i32
        %xor3A_397 = vector.broadcast %xor3A_396 : i32 to vector<16xi32>
        %xor3A_398 = arith.xori %iota3A, %xor3A_397 : vector<16xi32>
        %broadcast_in_dim3A_399 = vector.shape_cast %xor3A_398 : vector<16xi32> to vector<16x1xi32>
        %gather3A_400 = vector.shape_cast %broadcast_in_dim3A_399 : vector<16x1xi32> to vector<16xi32>
        %gather3A_401 = tpu.dynamic_gather %select_n3A_262[%gather3A_400] in [0] : vector<16xf32>, vector<16xi32> -> vector<16xf32>
        %add3A_402 = arith.addf %select_n3A_262, %gather3A_401 : vector<16xf32>
        %and3A_403 = arith.constant 4 : i32
        %and3A_404 = vector.broadcast %and3A_403 : i32 to vector<16xi32>
        %and3A_405 = arith.andi %iota3A, %and3A_404 : vector<16xi32>
        %eq3A_406 = arith.constant 0 : i32
        %eq3A_407 = vector.broadcast %eq3A_406 : i32 to vector<16xi32>
        %eq3A_408 = arith.cmpi eq, %and3A_405, %eq3A_407 : vector<16xi32>
        %select_n3A_409 = arith.select %eq3A_408, %add3A_395, %add3A_402 : vector<16xi1>, vector<16xf32>
        %xor3A_410 = arith.constant 4 : i32
        %xor3A_411 = vector.broadcast %xor3A_410 : i32 to vector<16xi32>
        %xor3A_412 = arith.xori %iota3A, %xor3A_411 : vector<16xi32>
        %broadcast_in_dim3A_413 = vector.shape_cast %xor3A_412 : vector<16xi32> to vector<16x1xi32>
        %gather3A_414 = vector.shape_cast %broadcast_in_dim3A_413 : vector<16x1xi32> to vector<16xi32>
        %gather3A_415 = tpu.dynamic_gather %select_n3A_283[%gather3A_414] in [0] : vector<16xf32>, vector<16xi32> -> vector<16xf32>
        %add3A_416 = arith.addf %select_n3A_283, %gather3A_415 : vector<16xf32>
        %xor3A_417 = arith.constant 4 : i32
        %xor3A_418 = vector.broadcast %xor3A_417 : i32 to vector<16xi32>
        %xor3A_419 = arith.xori %iota3A, %xor3A_418 : vector<16xi32>
        %broadcast_in_dim3A_420 = vector.shape_cast %xor3A_419 : vector<16xi32> to vector<16x1xi32>
        %gather3A_421 = vector.shape_cast %broadcast_in_dim3A_420 : vector<16x1xi32> to vector<16xi32>
        %gather3A_422 = tpu.dynamic_gather %select_n3A_304[%gather3A_421] in [0] : vector<16xf32>, vector<16xi32> -> vector<16xf32>
        %add3A_423 = arith.addf %select_n3A_304, %gather3A_422 : vector<16xf32>
        %and3A_424 = arith.constant 4 : i32
        %and3A_425 = vector.broadcast %and3A_424 : i32 to vector<16xi32>
        %and3A_426 = arith.andi %iota3A, %and3A_425 : vector<16xi32>
        %eq3A_427 = arith.constant 0 : i32
        %eq3A_428 = vector.broadcast %eq3A_427 : i32 to vector<16xi32>
        %eq3A_429 = arith.cmpi eq, %and3A_426, %eq3A_428 : vector<16xi32>
        %select_n3A_430 = arith.select %eq3A_429, %add3A_416, %add3A_423 : vector<16xi1>, vector<16xf32>
        %xor3A_431 = arith.constant 4 : i32
        %xor3A_432 = vector.broadcast %xor3A_431 : i32 to vector<16xi32>
        %xor3A_433 = arith.xori %iota3A, %xor3A_432 : vector<16xi32>
        %broadcast_in_dim3A_434 = vector.shape_cast %xor3A_433 : vector<16xi32> to vector<16x1xi32>
        %gather3A_435 = vector.shape_cast %broadcast_in_dim3A_434 : vector<16x1xi32> to vector<16xi32>
        %gather3A_436 = tpu.dynamic_gather %select_n3A_325[%gather3A_435] in [0] : vector<16xf32>, vector<16xi32> -> vector<16xf32>
        %add3A_437 = arith.addf %select_n3A_325, %gather3A_436 : vector<16xf32>
        %xor3A_438 = arith.constant 4 : i32
        %xor3A_439 = vector.broadcast %xor3A_438 : i32 to vector<16xi32>
        %xor3A_440 = arith.xori %iota3A, %xor3A_439 : vector<16xi32>
        %broadcast_in_dim3A_441 = vector.shape_cast %xor3A_440 : vector<16xi32> to vector<16x1xi32>
        %gather3A_442 = vector.shape_cast %broadcast_in_dim3A_441 : vector<16x1xi32> to vector<16xi32>
        %gather3A_443 = tpu.dynamic_gather %select_n3A_346[%gather3A_442] in [0] : vector<16xf32>, vector<16xi32> -> vector<16xf32>
        %add3A_444 = arith.addf %select_n3A_346, %gather3A_443 : vector<16xf32>
        %and3A_445 = arith.constant 4 : i32
        %and3A_446 = vector.broadcast %and3A_445 : i32 to vector<16xi32>
        %and3A_447 = arith.andi %iota3A, %and3A_446 : vector<16xi32>
        %eq3A_448 = arith.constant 0 : i32
        %eq3A_449 = vector.broadcast %eq3A_448 : i32 to vector<16xi32>
        %eq3A_450 = arith.cmpi eq, %and3A_447, %eq3A_449 : vector<16xi32>
        %select_n3A_451 = arith.select %eq3A_450, %add3A_437, %add3A_444 : vector<16xi1>, vector<16xf32>
        %xor3A_452 = arith.constant 4 : i32
        %xor3A_453 = vector.broadcast %xor3A_452 : i32 to vector<16xi32>
        %xor3A_454 = arith.xori %iota3A, %xor3A_453 : vector<16xi32>
        %broadcast_in_dim3A_455 = vector.shape_cast %xor3A_454 : vector<16xi32> to vector<16x1xi32>
        %gather3A_456 = vector.shape_cast %broadcast_in_dim3A_455 : vector<16x1xi32> to vector<16xi32>
        %gather3A_457 = tpu.dynamic_gather %select_n3A_367[%gather3A_456] in [0] : vector<16xf32>, vector<16xi32> -> vector<16xf32>
        %add3A_458 = arith.addf %select_n3A_367, %gather3A_457 : vector<16xf32>
        %xor3A_459 = arith.constant 4 : i32
        %xor3A_460 = vector.broadcast %xor3A_459 : i32 to vector<16xi32>
        %xor3A_461 = arith.xori %iota3A, %xor3A_460 : vector<16xi32>
        %broadcast_in_dim3A_462 = vector.shape_cast %xor3A_461 : vector<16xi32> to vector<16x1xi32>
        %gather3A_463 = vector.shape_cast %broadcast_in_dim3A_462 : vector<16x1xi32> to vector<16xi32>
        %gather3A_464 = tpu.dynamic_gather %select_n3A_388[%gather3A_463] in [0] : vector<16xf32>, vector<16xi32> -> vector<16xf32>
        %add3A_465 = arith.addf %select_n3A_388, %gather3A_464 : vector<16xf32>
        %and3A_466 = arith.constant 4 : i32
        %and3A_467 = vector.broadcast %and3A_466 : i32 to vector<16xi32>
        %and3A_468 = arith.andi %iota3A, %and3A_467 : vector<16xi32>
        %eq3A_469 = arith.constant 0 : i32
        %eq3A_470 = vector.broadcast %eq3A_469 : i32 to vector<16xi32>
        %eq3A_471 = arith.cmpi eq, %and3A_468, %eq3A_470 : vector<16xi32>
        %select_n3A_472 = arith.select %eq3A_471, %add3A_458, %add3A_465 : vector<16xi1>, vector<16xf32>
        %xor3A_473 = arith.constant 2 : i32
        %xor3A_474 = vector.broadcast %xor3A_473 : i32 to vector<16xi32>
        %xor3A_475 = arith.xori %iota3A, %xor3A_474 : vector<16xi32>
        %broadcast_in_dim3A_476 = vector.shape_cast %xor3A_475 : vector<16xi32> to vector<16x1xi32>
        %gather3A_477 = vector.shape_cast %broadcast_in_dim3A_476 : vector<16x1xi32> to vector<16xi32>
        %gather3A_478 = tpu.dynamic_gather %select_n3A_409[%gather3A_477] in [0] : vector<16xf32>, vector<16xi32> -> vector<16xf32>
        %add3A_479 = arith.addf %select_n3A_409, %gather3A_478 : vector<16xf32>
        %xor3A_480 = arith.constant 2 : i32
        %xor3A_481 = vector.broadcast %xor3A_480 : i32 to vector<16xi32>
        %xor3A_482 = arith.xori %iota3A, %xor3A_481 : vector<16xi32>
        %broadcast_in_dim3A_483 = vector.shape_cast %xor3A_482 : vector<16xi32> to vector<16x1xi32>
        %gather3A_484 = vector.shape_cast %broadcast_in_dim3A_483 : vector<16x1xi32> to vector<16xi32>
        %gather3A_485 = tpu.dynamic_gather %select_n3A_430[%gather3A_484] in [0] : vector<16xf32>, vector<16xi32> -> vector<16xf32>
        %add3A_486 = arith.addf %select_n3A_430, %gather3A_485 : vector<16xf32>
        %and3A_487 = arith.constant 2 : i32
        %and3A_488 = vector.broadcast %and3A_487 : i32 to vector<16xi32>
        %and3A_489 = arith.andi %iota3A, %and3A_488 : vector<16xi32>
        %eq3A_490 = arith.constant 0 : i32
        %eq3A_491 = vector.broadcast %eq3A_490 : i32 to vector<16xi32>
        %eq3A_492 = arith.cmpi eq, %and3A_489, %eq3A_491 : vector<16xi32>
        %select_n3A_493 = arith.select %eq3A_492, %add3A_479, %add3A_486 : vector<16xi1>, vector<16xf32>
        %xor3A_494 = arith.constant 2 : i32
        %xor3A_495 = vector.broadcast %xor3A_494 : i32 to vector<16xi32>
        %xor3A_496 = arith.xori %iota3A, %xor3A_495 : vector<16xi32>
        %broadcast_in_dim3A_497 = vector.shape_cast %xor3A_496 : vector<16xi32> to vector<16x1xi32>
        %gather3A_498 = vector.shape_cast %broadcast_in_dim3A_497 : vector<16x1xi32> to vector<16xi32>
        %gather3A_499 = tpu.dynamic_gather %select_n3A_451[%gather3A_498] in [0] : vector<16xf32>, vector<16xi32> -> vector<16xf32>
        %add3A_500 = arith.addf %select_n3A_451, %gather3A_499 : vector<16xf32>
        %xor3A_501 = arith.constant 2 : i32
        %xor3A_502 = vector.broadcast %xor3A_501 : i32 to vector<16xi32>
        %xor3A_503 = arith.xori %iota3A, %xor3A_502 : vector<16xi32>
        %broadcast_in_dim3A_504 = vector.shape_cast %xor3A_503 : vector<16xi32> to vector<16x1xi32>
        %gather3A_505 = vector.shape_cast %broadcast_in_dim3A_504 : vector<16x1xi32> to vector<16xi32>
        %gather3A_506 = tpu.dynamic_gather %select_n3A_472[%gather3A_505] in [0] : vector<16xf32>, vector<16xi32> -> vector<16xf32>
        %add3A_507 = arith.addf %select_n3A_472, %gather3A_506 : vector<16xf32>
        %and3A_508 = arith.constant 2 : i32
        %and3A_509 = vector.broadcast %and3A_508 : i32 to vector<16xi32>
        %and3A_510 = arith.andi %iota3A, %and3A_509 : vector<16xi32>
        %eq3A_511 = arith.constant 0 : i32
        %eq3A_512 = vector.broadcast %eq3A_511 : i32 to vector<16xi32>
        %eq3A_513 = arith.cmpi eq, %and3A_510, %eq3A_512 : vector<16xi32>
        %select_n3A_514 = arith.select %eq3A_513, %add3A_500, %add3A_507 : vector<16xi1>, vector<16xf32>
        %xor3A_515 = arith.constant 1 : i32
        %xor3A_516 = vector.broadcast %xor3A_515 : i32 to vector<16xi32>
        %xor3A_517 = arith.xori %iota3A, %xor3A_516 : vector<16xi32>
        %broadcast_in_dim3A_518 = vector.shape_cast %xor3A_517 : vector<16xi32> to vector<16x1xi32>
        %gather3A_519 = vector.shape_cast %broadcast_in_dim3A_518 : vector<16x1xi32> to vector<16xi32>
        %gather3A_520 = tpu.dynamic_gather %select_n3A_493[%gather3A_519] in [0] : vector<16xf32>, vector<16xi32> -> vector<16xf32>
        %add3A_521 = arith.addf %select_n3A_493, %gather3A_520 : vector<16xf32>
        %xor3A_522 = arith.constant 1 : i32
        %xor3A_523 = vector.broadcast %xor3A_522 : i32 to vector<16xi32>
        %xor3A_524 = arith.xori %iota3A, %xor3A_523 : vector<16xi32>
        %broadcast_in_dim3A_525 = vector.shape_cast %xor3A_524 : vector<16xi32> to vector<16x1xi32>
        %gather3A_526 = vector.shape_cast %broadcast_in_dim3A_525 : vector<16x1xi32> to vector<16xi32>
        %gather3A_527 = tpu.dynamic_gather %select_n3A_514[%gather3A_526] in [0] : vector<16xf32>, vector<16xi32> -> vector<16xf32>
        %add3A_528 = arith.addf %select_n3A_514, %gather3A_527 : vector<16xf32>
        %and3A_529 = arith.constant 1 : i32
        %and3A_530 = vector.broadcast %and3A_529 : i32 to vector<16xi32>
        %and3A_531 = arith.andi %iota3A, %and3A_530 : vector<16xi32>
        %eq3A_532 = arith.constant 0 : i32
        %eq3A_533 = vector.broadcast %eq3A_532 : i32 to vector<16xi32>
        %eq3A_534 = arith.cmpi eq, %and3A_531, %eq3A_533 : vector<16xi32>
        %select_n3A_535 = arith.select %eq3A_534, %add3A_521, %add3A_528 : vector<16xi1>, vector<16xf32>
        %add3A_536 = vector.broadcast %mul3A_49 : i32 to vector<16xi32>
        %add3A_537 = arith.addi %add3A_536, %and3A_6 : vector<16xi32>
        %gather3A_538 = tpu.vector_load_idx %arg13[%add3A_537] : memref<400xf32, #tpu.memory_space<vmem>>[vector<16xi32>], vector<16xf32>,
        %mul3A_539 = arith.mulf %select_n3A_535, %gather3A_538 : vector<16xf32>
        %mul3A_540 = arith.constant 2.500000e-01 : f32
        %mul3A_541 = vector.broadcast %mul3A_540 : f32 to vector<16xf32>
        %mul3A_542 = arith.mulf %mul3A_539, %mul3A_541 : vector<16xf32>
        %exp3A = math.exp %mul3A_542 : vector<16xf32>
        tpu.vector_store_idx %arg16[%add3A_537, %and3A_9], %exp3A : memref<400x8xf32, #tpu.memory_space<vmem>>[vector<16xi32>, vector<16xi32>], vector<16xf32>,
        %mul3A_543 = arith.constant 16 : i32
        %mul3A_544 = arith.muli %mul3A_543, %scan3A_47 : i32
        %swap3A = arith.index_cast %mul3A_544 : i32 to index
        %swap3A_545 = tpu.vector_load %arg17[%swap3A] {strides = array<i32>} : memref<3200xf32, #tpu.memory_space<vmem>>, vector<16xf32>,
        tpu.vector_store %arg17[%swap3A], %exp3A {strides = array<i32>} : memref<3200xf32, #tpu.memory_space<vmem>>, vector<16xf32>,
        %scan3A_546 = arith.constant 1 : i32
        %scan3A_547 = arith.addi %scan3A_47, %scan3A_546 : i32
        %mul3A_548 = arith.constant 2 : i32
        %mul3A_549 = arith.muli %mul3A_548, %scan3A_547 : i32
        %add3A_550 = arith.constant 0 : i32
        %add3A_551 = arith.addi %mul3A_549, %add3A_550 : i32
        %get3A_552 = arith.index_cast %add3A_551 : i32 to index
        %get3A_553 = arith.constant 0 : index
        %get3A_554 = tpu.vector_load %arg14[%get3A_552, %get3A_553] {strides = array<i32>} : memref<400x128xf32, #tpu.memory_space<vmem>>, vector<16xf32>,
        %add3A_555 = arith.constant 0 : i32
        %add3A_556 = arith.addi %mul3A_549, %add3A_555 : i32
        %get3A_557 = arith.index_cast %add3A_556 : i32 to index
        %get3A_558 = arith.constant 0 : index
        %get3A_559 = tpu.vector_load %arg15[%get3A_557, %get3A_558] {strides = array<i32>} : memref<400x128xf32, #tpu.memory_space<vmem>>, vector<16xf32>,
        %mul3A_560 = arith.mulf %get3A_554, %get3A_559 : vector<16xf32>
        %add3A_561 = arith.constant 1 : i32
        %add3A_562 = arith.addi %mul3A_549, %add3A_561 : i32
        %get3A_563 = arith.index_cast %add3A_562 : i32 to index
        %get3A_564 = arith.constant 0 : index
        %get3A_565 = tpu.vector_load %arg14[%get3A_563, %get3A_564] {strides = array<i32>} : memref<400x128xf32, #tpu.memory_space<vmem>>, vector<16xf32>,
        %add3A_566 = arith.constant 1 : i32
        %add3A_567 = arith.addi %mul3A_549, %add3A_566 : i32
        %get3A_568 = arith.index_cast %add3A_567 : i32 to index
        %get3A_569 = arith.constant 0 : index
        %get3A_570 = tpu.vector_load %arg15[%get3A_568, %get3A_569] {strides = array<i32>} : memref<400x128xf32, #tpu.memory_space<vmem>>, vector<16xf32>,
        %mul3A_571 = arith.mulf %get3A_565, %get3A_570 : vector<16xf32>
        %add3A_572 = arith.constant 0 : i32
        %add3A_573 = arith.addi %mul3A_549, %add3A_572 : i32
        %get3A_574 = arith.index_cast %add3A_573 : i32 to index
        %get3A_575 = arith.constant 64 : index
        %get3A_576 = tpu.vector_load %arg14[%get3A_574, %get3A_575] {strides = array<i32>} : memref<400x128xf32, #tpu.memory_space<vmem>>, vector<16xf32>,
        %add3A_577 = arith.constant 0 : i32
        %add3A_578 = arith.addi %mul3A_549, %add3A_577 : i32
        %get3A_579 = arith.index_cast %add3A_578 : i32 to index
        %get3A_580 = arith.constant 64 : index
        %get3A_581 = tpu.vector_load %arg15[%get3A_579, %get3A_580] {strides = array<i32>} : memref<400x128xf32, #tpu.memory_space<vmem>>, vector<16xf32>,
        %mul3A_582 = arith.mulf %get3A_576, %get3A_581 : vector<16xf32>
        %add3A_583 = arith.constant 1 : i32
        %add3A_584 = arith.addi %mul3A_549, %add3A_583 : i32
        %get3A_585 = arith.index_cast %add3A_584 : i32 to index
        %get3A_586 = arith.constant 64 : index
        %get3A_587 = tpu.vector_load %arg14[%get3A_585, %get3A_586] {strides = array<i32>} : memref<400x128xf32, #tpu.memory_space<vmem>>, vector<16xf32>,
        %add3A_588 = arith.constant 1 : i32
        %add3A_589 = arith.addi %mul3A_549, %add3A_588 : i32
        %get3A_590 = arith.index_cast %add3A_589 : i32 to index
        %get3A_591 = arith.constant 64 : index
        %get3A_592 = tpu.vector_load %arg15[%get3A_590, %get3A_591] {strides = array<i32>} : memref<400x128xf32, #tpu.memory_space<vmem>>, vector<16xf32>,
        %mul3A_593 = arith.mulf %get3A_587, %get3A_592 : vector<16xf32>
        %add3A_594 = arith.constant 0 : i32
        %add3A_595 = arith.addi %mul3A_549, %add3A_594 : i32
        %get3A_596 = arith.index_cast %add3A_595 : i32 to index
        %get3A_597 = arith.constant 32 : index
        %get3A_598 = tpu.vector_load %arg14[%get3A_596, %get3A_597] {strides = array<i32>} : memref<400x128xf32, #tpu.memory_space<vmem>>, vector<16xf32>,
        %add3A_599 = arith.constant 0 : i32
        %add3A_600 = arith.addi %mul3A_549, %add3A_599 : i32
        %get3A_601 = arith.index_cast %add3A_600 : i32 to index
        %get3A_602 = arith.constant 32 : index
        %get3A_603 = tpu.vector_load %arg15[%get3A_601, %get3A_602] {strides = array<i32>} : memref<400x128xf32, #tpu.memory_space<vmem>>, vector<16xf32>,
        %mul3A_604 = arith.mulf %get3A_598, %get3A_603 : vector<16xf32>
        %add3A_605 = arith.constant 1 : i32
        %add3A_606 = arith.addi %mul3A_549, %add3A_605 : i32
        %get3A_607 = arith.index_cast %add3A_606 : i32 to index
        %get3A_608 = arith.constant 32 : index
        %get3A_609 = tpu.vector_load %arg14[%get3A_607, %get3A_608] {strides = array<i32>} : memref<400x128xf32, #tpu.memory_space<vmem>>, vector<16xf32>,
        %add3A_610 = arith.constant 1 : i32
        %add3A_611 = arith.addi %mul3A_549, %add3A_610 : i32
        %get3A_612 = arith.index_cast %add3A_611 : i32 to index
        %get3A_613 = arith.constant 32 : index
        %get3A_614 = tpu.vector_load %arg15[%get3A_612, %get3A_613] {strides = array<i32>} : memref<400x128xf32, #tpu.memory_space<vmem>>, vector<16xf32>,
        %mul3A_615 = arith.mulf %get3A_609, %get3A_614 : vector<16xf32>
        %add3A_616 = arith.constant 0 : i32
        %add3A_617 = arith.addi %mul3A_549, %add3A_616 : i32
        %get3A_618 = arith.index_cast %add3A_617 : i32 to index
        %get3A_619 = arith.constant 96 : index
        %get3A_620 = tpu.vector_load %arg14[%get3A_618, %get3A_619] {strides = array<i32>} : memref<400x128xf32, #tpu.memory_space<vmem>>, vector<16xf32>,
        %add3A_621 = arith.constant 0 : i32
        %add3A_622 = arith.addi %mul3A_549, %add3A_621 : i32
        %get3A_623 = arith.index_cast %add3A_622 : i32 to index
        %get3A_624 = arith.constant 96 : index
        %get3A_625 = tpu.vector_load %arg15[%get3A_623, %get3A_624] {strides = array<i32>} : memref<400x128xf32, #tpu.memory_space<vmem>>, vector<16xf32>,
        %mul3A_626 = arith.mulf %get3A_620, %get3A_625 : vector<16xf32>
        %add3A_627 = arith.constant 1 : i32
        %add3A_628 = arith.addi %mul3A_549, %add3A_627 : i32
        %get3A_629 = arith.index_cast %add3A_628 : i32 to index
        %get3A_630 = arith.constant 96 : index
        %get3A_631 = tpu.vector_load %arg14[%get3A_629, %get3A_630] {strides = array<i32>} : memref<400x128xf32, #tpu.memory_space<vmem>>, vector<16xf32>,
        %add3A_632 = arith.constant 1 : i32
        %add3A_633 = arith.addi %mul3A_549, %add3A_632 : i32
        %get3A_634 = arith.index_cast %add3A_633 : i32 to index
        %get3A_635 = arith.constant 96 : index
        %get3A_636 = tpu.vector_load %arg15[%get3A_634, %get3A_635] {strides = array<i32>} : memref<400x128xf32, #tpu.memory_space<vmem>>, vector<16xf32>,
        %mul3A_637 = arith.mulf %get3A_631, %get3A_636 : vector<16xf32>
        %add3A_638 = arith.constant 0 : i32
        %add3A_639 = arith.addi %mul3A_549, %add3A_638 : i32
        %get3A_640 = arith.index_cast %add3A_639 : i32 to index
        %get3A_641 = arith.constant 16 : index
        %get3A_642 = tpu.vector_load %arg14[%get3A_640, %get3A_641] {strides = array<i32>} : memref<400x128xf32, #tpu.memory_space<vmem>>, vector<16xf32>,
        %add3A_643 = arith.constant 0 : i32
        %add3A_644 = arith.addi %mul3A_549, %add3A_643 : i32
        %get3A_645 = arith.index_cast %add3A_644 : i32 to index
        %get3A_646 = arith.constant 16 : index
        %get3A_647 = tpu.vector_load %arg15[%get3A_645, %get3A_646] {strides = array<i32>} : memref<400x128xf32, #tpu.memory_space<vmem>>, vector<16xf32>,
        %mul3A_648 = arith.mulf %get3A_642, %get3A_647 : vector<16xf32>
        %add3A_649 = arith.constant 1 : i32
        %add3A_650 = arith.addi %mul3A_549, %add3A_649 : i32
        %get3A_651 = arith.index_cast %add3A_650 : i32 to index
        %get3A_652 = arith.constant 16 : index
        %get3A_653 = tpu.vector_load %arg14[%get3A_651, %get3A_652] {strides = array<i32>} : memref<400x128xf32, #tpu.memory_space<vmem>>, vector<16xf32>,
        %add3A_654 = arith.constant 1 : i32
        %add3A_655 = arith.addi %mul3A_549, %add3A_654 : i32
        %get3A_656 = arith.index_cast %add3A_655 : i32 to index
        %get3A_657 = arith.constant 16 : index
        %get3A_658 = tpu.vector_load %arg15[%get3A_656, %get3A_657] {strides = array<i32>} : memref<400x128xf32, #tpu.memory_space<vmem>>, vector<16xf32>,
        %mul3A_659 = arith.mulf %get3A_653, %get3A_658 : vector<16xf32>
        %add3A_660 = arith.constant 0 : i32
        %add3A_661 = arith.addi %mul3A_549, %add3A_660 : i32
        %get3A_662 = arith.index_cast %add3A_661 : i32 to index
        %get3A_663 = arith.constant 80 : index
        %get3A_664 = tpu.vector_load %arg14[%get3A_662, %get3A_663] {strides = array<i32>} : memref<400x128xf32, #tpu.memory_space<vmem>>, vector<16xf32>,
        %add3A_665 = arith.constant 0 : i32
        %add3A_666 = arith.addi %mul3A_549, %add3A_665 : i32
        %get3A_667 = arith.index_cast %add3A_666 : i32 to index
        %get3A_668 = arith.constant 80 : index
        %get3A_669 = tpu.vector_load %arg15[%get3A_667, %get3A_668] {strides = array<i32>} : memref<400x128xf32, #tpu.memory_space<vmem>>, vector<16xf32>,
        %mul3A_670 = arith.mulf %get3A_664, %get3A_669 : vector<16xf32>
        %add3A_671 = arith.constant 1 : i32
        %add3A_672 = arith.addi %mul3A_549, %add3A_671 : i32
        %get3A_673 = arith.index_cast %add3A_672 : i32 to index
        %get3A_674 = arith.constant 80 : index
        %get3A_675 = tpu.vector_load %arg14[%get3A_673, %get3A_674] {strides = array<i32>} : memref<400x128xf32, #tpu.memory_space<vmem>>, vector<16xf32>,
        %add3A_676 = arith.constant 1 : i32
        %add3A_677 = arith.addi %mul3A_549, %add3A_676 : i32
        %get3A_678 = arith.index_cast %add3A_677 : i32 to index
        %get3A_679 = arith.constant 80 : index
        %get3A_680 = tpu.vector_load %arg15[%get3A_678, %get3A_679] {strides = array<i32>} : memref<400x128xf32, #tpu.memory_space<vmem>>, vector<16xf32>,
        %mul3A_681 = arith.mulf %get3A_675, %get3A_680 : vector<16xf32>
        %add3A_682 = arith.constant 0 : i32
        %add3A_683 = arith.addi %mul3A_549, %add3A_682 : i32
        %get3A_684 = arith.index_cast %add3A_683 : i32 to index
        %get3A_685 = arith.constant 48 : index
        %get3A_686 = tpu.vector_load %arg14[%get3A_684, %get3A_685] {strides = array<i32>} : memref<400x128xf32, #tpu.memory_space<vmem>>, vector<16xf32>,
        %add3A_687 = arith.constant 0 : i32
        %add3A_688 = arith.addi %mul3A_549, %add3A_687 : i32
        %get3A_689 = arith.index_cast %add3A_688 : i32 to index
        %get3A_690 = arith.constant 48 : index
        %get3A_691 = tpu.vector_load %arg15[%get3A_689, %get3A_690] {strides = array<i32>} : memref<400x128xf32, #tpu.memory_space<vmem>>, vector<16xf32>,
        %mul3A_692 = arith.mulf %get3A_686, %get3A_691 : vector<16xf32>
        %add3A_693 = arith.constant 1 : i32
        %add3A_694 = arith.addi %mul3A_549, %add3A_693 : i32
        %get3A_695 = arith.index_cast %add3A_694 : i32 to index
        %get3A_696 = arith.constant 48 : index
        %get3A_697 = tpu.vector_load %arg14[%get3A_695, %get3A_696] {strides = array<i32>} : memref<400x128xf32, #tpu.memory_space<vmem>>, vector<16xf32>,
        %add3A_698 = arith.constant 1 : i32
        %add3A_699 = arith.addi %mul3A_549, %add3A_698 : i32
        %get3A_700 = arith.index_cast %add3A_699 : i32 to index
        %get3A_701 = arith.constant 48 : index
        %get3A_702 = tpu.vector_load %arg15[%get3A_700, %get3A_701] {strides = array<i32>} : memref<400x128xf32, #tpu.memory_space<vmem>>, vector<16xf32>,
        %mul3A_703 = arith.mulf %get3A_697, %get3A_702 : vector<16xf32>
        %add3A_704 = arith.constant 0 : i32
        %add3A_705 = arith.addi %mul3A_549, %add3A_704 : i32
        %get3A_706 = arith.index_cast %add3A_705 : i32 to index
        %get3A_707 = arith.constant 112 : index
        %get3A_708 = tpu.vector_load %arg14[%get3A_706, %get3A_707] {strides = array<i32>} : memref<400x128xf32, #tpu.memory_space<vmem>>, vector<16xf32>,
        %add3A_709 = arith.constant 0 : i32
        %add3A_710 = arith.addi %mul3A_549, %add3A_709 : i32
        %get3A_711 = arith.index_cast %add3A_710 : i32 to index
        %get3A_712 = arith.constant 112 : index
        %get3A_713 = tpu.vector_load %arg15[%get3A_711, %get3A_712] {strides = array<i32>} : memref<400x128xf32, #tpu.memory_space<vmem>>, vector<16xf32>,
        %mul3A_714 = arith.mulf %get3A_708, %get3A_713 : vector<16xf32>
        %add3A_715 = arith.constant 1 : i32
        %add3A_716 = arith.addi %mul3A_549, %add3A_715 : i32
        %get3A_717 = arith.index_cast %add3A_716 : i32 to index
        %get3A_718 = arith.constant 112 : index
        %get3A_719 = tpu.vector_load %arg14[%get3A_717, %get3A_718] {strides = array<i32>} : memref<400x128xf32, #tpu.memory_space<vmem>>, vector<16xf32>,
        %add3A_720 = arith.constant 1 : i32
        %add3A_721 = arith.addi %mul3A_549, %add3A_720 : i32
        %get3A_722 = arith.index_cast %add3A_721 : i32 to index
        %get3A_723 = arith.constant 112 : index
        %get3A_724 = tpu.vector_load %arg15[%get3A_722, %get3A_723] {strides = array<i32>} : memref<400x128xf32, #tpu.memory_space<vmem>>, vector<16xf32>,
        %mul3A_725 = arith.mulf %get3A_719, %get3A_724 : vector<16xf32>
        %xor3A_726 = arith.constant 8 : i32
        %xor3A_727 = vector.broadcast %xor3A_726 : i32 to vector<16xi32>
        %xor3A_728 = arith.xori %iota3A, %xor3A_727 : vector<16xi32>
        %broadcast_in_dim3A_729 = vector.shape_cast %xor3A_728 : vector<16xi32> to vector<16x1xi32>
        %gather3A_730 = vector.shape_cast %broadcast_in_dim3A_729 : vector<16x1xi32> to vector<16xi32>
        %gather3A_731 = tpu.dynamic_gather %mul3A_560[%gather3A_730] in [0] : vector<16xf32>, vector<16xi32> -> vector<16xf32>
        %add3A_732 = arith.addf %mul3A_560, %gather3A_731 : vector<16xf32>
        %xor3A_733 = arith.constant 8 : i32
        %xor3A_734 = vector.broadcast %xor3A_733 : i32 to vector<16xi32>
        %xor3A_735 = arith.xori %iota3A, %xor3A_734 : vector<16xi32>
        %broadcast_in_dim3A_736 = vector.shape_cast %xor3A_735 : vector<16xi32> to vector<16x1xi32>
        %gather3A_737 = vector.shape_cast %broadcast_in_dim3A_736 : vector<16x1xi32> to vector<16xi32>
        %gather3A_738 = tpu.dynamic_gather %mul3A_571[%gather3A_737] in [0] : vector<16xf32>, vector<16xi32> -> vector<16xf32>
        %add3A_739 = arith.addf %mul3A_571, %gather3A_738 : vector<16xf32>
        %and3A_740 = arith.constant 8 : i32
        %and3A_741 = vector.broadcast %and3A_740 : i32 to vector<16xi32>
        %and3A_742 = arith.andi %iota3A, %and3A_741 : vector<16xi32>
        %eq3A_743 = arith.constant 0 : i32
        %eq3A_744 = vector.broadcast %eq3A_743 : i32 to vector<16xi32>
        %eq3A_745 = arith.cmpi eq, %and3A_742, %eq3A_744 : vector<16xi32>
        %select_n3A_746 = arith.select %eq3A_745, %add3A_732, %add3A_739 : vector<16xi1>, vector<16xf32>
        %xor3A_747 = arith.constant 8 : i32
        %xor3A_748 = vector.broadcast %xor3A_747 : i32 to vector<16xi32>
        %xor3A_749 = arith.xori %iota3A, %xor3A_748 : vector<16xi32>
        %broadcast_in_dim3A_750 = vector.shape_cast %xor3A_749 : vector<16xi32> to vector<16x1xi32>
        %gather3A_751 = vector.shape_cast %broadcast_in_dim3A_750 : vector<16x1xi32> to vector<16xi32>
        %gather3A_752 = tpu.dynamic_gather %mul3A_582[%gather3A_751] in [0] : vector<16xf32>, vector<16xi32> -> vector<16xf32>
        %add3A_753 = arith.addf %mul3A_582, %gather3A_752 : vector<16xf32>
        %xor3A_754 = arith.constant 8 : i32
        %xor3A_755 = vector.broadcast %xor3A_754 : i32 to vector<16xi32>
        %xor3A_756 = arith.xori %iota3A, %xor3A_755 : vector<16xi32>
        %broadcast_in_dim3A_757 = vector.shape_cast %xor3A_756 : vector<16xi32> to vector<16x1xi32>
        %gather3A_758 = vector.shape_cast %broadcast_in_dim3A_757 : vector<16x1xi32> to vector<16xi32>
        %gather3A_759 = tpu.dynamic_gather %mul3A_593[%gather3A_758] in [0] : vector<16xf32>, vector<16xi32> -> vector<16xf32>
        %add3A_760 = arith.addf %mul3A_593, %gather3A_759 : vector<16xf32>
        %and3A_761 = arith.constant 8 : i32
        %and3A_762 = vector.broadcast %and3A_761 : i32 to vector<16xi32>
        %and3A_763 = arith.andi %iota3A, %and3A_762 : vector<16xi32>
        %eq3A_764 = arith.constant 0 : i32
        %eq3A_765 = vector.broadcast %eq3A_764 : i32 to vector<16xi32>
        %eq3A_766 = arith.cmpi eq, %and3A_763, %eq3A_765 : vector<16xi32>
        %select_n3A_767 = arith.select %eq3A_766, %add3A_753, %add3A_760 : vector<16xi1>, vector<16xf32>
        %xor3A_768 = arith.constant 8 : i32
        %xor3A_769 = vector.broadcast %xor3A_768 : i32 to vector<16xi32>
        %xor3A_770 = arith.xori %iota3A, %xor3A_769 : vector<16xi32>
        %broadcast_in_dim3A_771 = vector.shape_cast %xor3A_770 : vector<16xi32> to vector<16x1xi32>
        %gather3A_772 = vector.shape_cast %broadcast_in_dim3A_771 : vector<16x1xi32> to vector<16xi32>
        %gather3A_773 = tpu.dynamic_gather %mul3A_604[%gather3A_772] in [0] : vector<16xf32>, vector<16xi32> -> vector<16xf32>
        %add3A_774 = arith.addf %mul3A_604, %gather3A_773 : vector<16xf32>
        %xor3A_775 = arith.constant 8 : i32
        %xor3A_776 = vector.broadcast %xor3A_775 : i32 to vector<16xi32>
        %xor3A_777 = arith.xori %iota3A, %xor3A_776 : vector<16xi32>
        %broadcast_in_dim3A_778 = vector.shape_cast %xor3A_777 : vector<16xi32> to vector<16x1xi32>
        %gather3A_779 = vector.shape_cast %broadcast_in_dim3A_778 : vector<16x1xi32> to vector<16xi32>
        %gather3A_780 = tpu.dynamic_gather %mul3A_615[%gather3A_779] in [0] : vector<16xf32>, vector<16xi32> -> vector<16xf32>
        %add3A_781 = arith.addf %mul3A_615, %gather3A_780 : vector<16xf32>
        %and3A_782 = arith.constant 8 : i32
        %and3A_783 = vector.broadcast %and3A_782 : i32 to vector<16xi32>
        %and3A_784 = arith.andi %iota3A, %and3A_783 : vector<16xi32>
        %eq3A_785 = arith.constant 0 : i32
        %eq3A_786 = vector.broadcast %eq3A_785 : i32 to vector<16xi32>
        %eq3A_787 = arith.cmpi eq, %and3A_784, %eq3A_786 : vector<16xi32>
        %select_n3A_788 = arith.select %eq3A_787, %add3A_774, %add3A_781 : vector<16xi1>, vector<16xf32>
        %xor3A_789 = arith.constant 8 : i32
        %xor3A_790 = vector.broadcast %xor3A_789 : i32 to vector<16xi32>
        %xor3A_791 = arith.xori %iota3A, %xor3A_790 : vector<16xi32>
        %broadcast_in_dim3A_792 = vector.shape_cast %xor3A_791 : vector<16xi32> to vector<16x1xi32>
        %gather3A_793 = vector.shape_cast %broadcast_in_dim3A_792 : vector<16x1xi32> to vector<16xi32>
        %gather3A_794 = tpu.dynamic_gather %mul3A_626[%gather3A_793] in [0] : vector<16xf32>, vector<16xi32> -> vector<16xf32>
        %add3A_795 = arith.addf %mul3A_626, %gather3A_794 : vector<16xf32>
        %xor3A_796 = arith.constant 8 : i32
        %xor3A_797 = vector.broadcast %xor3A_796 : i32 to vector<16xi32>
        %xor3A_798 = arith.xori %iota3A, %xor3A_797 : vector<16xi32>
        %broadcast_in_dim3A_799 = vector.shape_cast %xor3A_798 : vector<16xi32> to vector<16x1xi32>
        %gather3A_800 = vector.shape_cast %broadcast_in_dim3A_799 : vector<16x1xi32> to vector<16xi32>
        %gather3A_801 = tpu.dynamic_gather %mul3A_637[%gather3A_800] in [0] : vector<16xf32>, vector<16xi32> -> vector<16xf32>
        %add3A_802 = arith.addf %mul3A_637, %gather3A_801 : vector<16xf32>
        %and3A_803 = arith.constant 8 : i32
        %and3A_804 = vector.broadcast %and3A_803 : i32 to vector<16xi32>
        %and3A_805 = arith.andi %iota3A, %and3A_804 : vector<16xi32>
        %eq3A_806 = arith.constant 0 : i32
        %eq3A_807 = vector.broadcast %eq3A_806 : i32 to vector<16xi32>
        %eq3A_808 = arith.cmpi eq, %and3A_805, %eq3A_807 : vector<16xi32>
        %select_n3A_809 = arith.select %eq3A_808, %add3A_795, %add3A_802 : vector<16xi1>, vector<16xf32>
        %xor3A_810 = arith.constant 8 : i32
        %xor3A_811 = vector.broadcast %xor3A_810 : i32 to vector<16xi32>
        %xor3A_812 = arith.xori %iota3A, %xor3A_811 : vector<16xi32>
        %broadcast_in_dim3A_813 = vector.shape_cast %xor3A_812 : vector<16xi32> to vector<16x1xi32>
        %gather3A_814 = vector.shape_cast %broadcast_in_dim3A_813 : vector<16x1xi32> to vector<16xi32>
        %gather3A_815 = tpu.dynamic_gather %mul3A_648[%gather3A_814] in [0] : vector<16xf32>, vector<16xi32> -> vector<16xf32>
        %add3A_816 = arith.addf %mul3A_648, %gather3A_815 : vector<16xf32>
        %xor3A_817 = arith.constant 8 : i32
        %xor3A_818 = vector.broadcast %xor3A_817 : i32 to vector<16xi32>
        %xor3A_819 = arith.xori %iota3A, %xor3A_818 : vector<16xi32>
        %broadcast_in_dim3A_820 = vector.shape_cast %xor3A_819 : vector<16xi32> to vector<16x1xi32>
        %gather3A_821 = vector.shape_cast %broadcast_in_dim3A_820 : vector<16x1xi32> to vector<16xi32>
        %gather3A_822 = tpu.dynamic_gather %mul3A_659[%gather3A_821] in [0] : vector<16xf32>, vector<16xi32> -> vector<16xf32>
        %add3A_823 = arith.addf %mul3A_659, %gather3A_822 : vector<16xf32>
        %and3A_824 = arith.constant 8 : i32
        %and3A_825 = vector.broadcast %and3A_824 : i32 to vector<16xi32>
        %and3A_826 = arith.andi %iota3A, %and3A_825 : vector<16xi32>
        %eq3A_827 = arith.constant 0 : i32
        %eq3A_828 = vector.broadcast %eq3A_827 : i32 to vector<16xi32>
        %eq3A_829 = arith.cmpi eq, %and3A_826, %eq3A_828 : vector<16xi32>
        %select_n3A_830 = arith.select %eq3A_829, %add3A_816, %add3A_823 : vector<16xi1>, vector<16xf32>
        %xor3A_831 = arith.constant 8 : i32
        %xor3A_832 = vector.broadcast %xor3A_831 : i32 to vector<16xi32>
        %xor3A_833 = arith.xori %iota3A, %xor3A_832 : vector<16xi32>
        %broadcast_in_dim3A_834 = vector.shape_cast %xor3A_833 : vector<16xi32> to vector<16x1xi32>
        %gather3A_835 = vector.shape_cast %broadcast_in_dim3A_834 : vector<16x1xi32> to vector<16xi32>
        %gather3A_836 = tpu.dynamic_gather %mul3A_670[%gather3A_835] in [0] : vector<16xf32>, vector<16xi32> -> vector<16xf32>
        %add3A_837 = arith.addf %mul3A_670, %gather3A_836 : vector<16xf32>
        %xor3A_838 = arith.constant 8 : i32
        %xor3A_839 = vector.broadcast %xor3A_838 : i32 to vector<16xi32>
        %xor3A_840 = arith.xori %iota3A, %xor3A_839 : vector<16xi32>
        %broadcast_in_dim3A_841 = vector.shape_cast %xor3A_840 : vector<16xi32> to vector<16x1xi32>
        %gather3A_842 = vector.shape_cast %broadcast_in_dim3A_841 : vector<16x1xi32> to vector<16xi32>
        %gather3A_843 = tpu.dynamic_gather %mul3A_681[%gather3A_842] in [0] : vector<16xf32>, vector<16xi32> -> vector<16xf32>
        %add3A_844 = arith.addf %mul3A_681, %gather3A_843 : vector<16xf32>
        %and3A_845 = arith.constant 8 : i32
        %and3A_846 = vector.broadcast %and3A_845 : i32 to vector<16xi32>
        %and3A_847 = arith.andi %iota3A, %and3A_846 : vector<16xi32>
        %eq3A_848 = arith.constant 0 : i32
        %eq3A_849 = vector.broadcast %eq3A_848 : i32 to vector<16xi32>
        %eq3A_850 = arith.cmpi eq, %and3A_847, %eq3A_849 : vector<16xi32>
        %select_n3A_851 = arith.select %eq3A_850, %add3A_837, %add3A_844 : vector<16xi1>, vector<16xf32>
        %xor3A_852 = arith.constant 8 : i32
        %xor3A_853 = vector.broadcast %xor3A_852 : i32 to vector<16xi32>
        %xor3A_854 = arith.xori %iota3A, %xor3A_853 : vector<16xi32>
        %broadcast_in_dim3A_855 = vector.shape_cast %xor3A_854 : vector<16xi32> to vector<16x1xi32>
        %gather3A_856 = vector.shape_cast %broadcast_in_dim3A_855 : vector<16x1xi32> to vector<16xi32>
        %gather3A_857 = tpu.dynamic_gather %mul3A_692[%gather3A_856] in [0] : vector<16xf32>, vector<16xi32> -> vector<16xf32>
        %add3A_858 = arith.addf %mul3A_692, %gather3A_857 : vector<16xf32>
        %xor3A_859 = arith.constant 8 : i32
        %xor3A_860 = vector.broadcast %xor3A_859 : i32 to vector<16xi32>
        %xor3A_861 = arith.xori %iota3A, %xor3A_860 : vector<16xi32>
        %broadcast_in_dim3A_862 = vector.shape_cast %xor3A_861 : vector<16xi32> to vector<16x1xi32>
        %gather3A_863 = vector.shape_cast %broadcast_in_dim3A_862 : vector<16x1xi32> to vector<16xi32>
        %gather3A_864 = tpu.dynamic_gather %mul3A_703[%gather3A_863] in [0] : vector<16xf32>, vector<16xi32> -> vector<16xf32>
        %add3A_865 = arith.addf %mul3A_703, %gather3A_864 : vector<16xf32>
        %and3A_866 = arith.constant 8 : i32
        %and3A_867 = vector.broadcast %and3A_866 : i32 to vector<16xi32>
        %and3A_868 = arith.andi %iota3A, %and3A_867 : vector<16xi32>
        %eq3A_869 = arith.constant 0 : i32
        %eq3A_870 = vector.broadcast %eq3A_869 : i32 to vector<16xi32>
        %eq3A_871 = arith.cmpi eq, %and3A_868, %eq3A_870 : vector<16xi32>
        %select_n3A_872 = arith.select %eq3A_871, %add3A_858, %add3A_865 : vector<16xi1>, vector<16xf32>
        %xor3A_873 = arith.constant 8 : i32
        %xor3A_874 = vector.broadcast %xor3A_873 : i32 to vector<16xi32>
        %xor3A_875 = arith.xori %iota3A, %xor3A_874 : vector<16xi32>
        %broadcast_in_dim3A_876 = vector.shape_cast %xor3A_875 : vector<16xi32> to vector<16x1xi32>
        %gather3A_877 = vector.shape_cast %broadcast_in_dim3A_876 : vector<16x1xi32> to vector<16xi32>
        %gather3A_878 = tpu.dynamic_gather %mul3A_714[%gather3A_877] in [0] : vector<16xf32>, vector<16xi32> -> vector<16xf32>
        %add3A_879 = arith.addf %mul3A_714, %gather3A_878 : vector<16xf32>
        %xor3A_880 = arith.constant 8 : i32
        %xor3A_881 = vector.broadcast %xor3A_880 : i32 to vector<16xi32>
        %xor3A_882 = arith.xori %iota3A, %xor3A_881 : vector<16xi32>
        %broadcast_in_dim3A_883 = vector.shape_cast %xor3A_882 : vector<16xi32> to vector<16x1xi32>
        %gather3A_884 = vector.shape_cast %broadcast_in_dim3A_883 : vector<16x1xi32> to vector<16xi32>
        %gather3A_885 = tpu.dynamic_gather %mul3A_725[%gather3A_884] in [0] : vector<16xf32>, vector<16xi32> -> vector<16xf32>
        %add3A_886 = arith.addf %mul3A_725, %gather3A_885 : vector<16xf32>
        %and3A_887 = arith.constant 8 : i32
        %and3A_888 = vector.broadcast %and3A_887 : i32 to vector<16xi32>
        %and3A_889 = arith.andi %iota3A, %and3A_888 : vector<16xi32>
        %eq3A_890 = arith.constant 0 : i32
        %eq3A_891 = vector.broadcast %eq3A_890 : i32 to vector<16xi32>
        %eq3A_892 = arith.cmpi eq, %and3A_889, %eq3A_891 : vector<16xi32>
        %select_n3A_893 = arith.select %eq3A_892, %add3A_879, %add3A_886 : vector<16xi1>, vector<16xf32>
        %xor3A_894 = arith.constant 4 : i32
        %xor3A_895 = vector.broadcast %xor3A_894 : i32 to vector<16xi32>
        %xor3A_896 = arith.xori %iota3A, %xor3A_895 : vector<16xi32>
        %broadcast_in_dim3A_897 = vector.shape_cast %xor3A_896 : vector<16xi32> to vector<16x1xi32>
        %gather3A_898 = vector.shape_cast %broadcast_in_dim3A_897 : vector<16x1xi32> to vector<16xi32>
        %gather3A_899 = tpu.dynamic_gather %select_n3A_746[%gather3A_898] in [0] : vector<16xf32>, vector<16xi32> -> vector<16xf32>
        %add3A_900 = arith.addf %select_n3A_746, %gather3A_899 : vector<16xf32>
        %xor3A_901 = arith.constant 4 : i32
        %xor3A_902 = vector.broadcast %xor3A_901 : i32 to vector<16xi32>
        %xor3A_903 = arith.xori %iota3A, %xor3A_902 : vector<16xi32>
        %broadcast_in_dim3A_904 = vector.shape_cast %xor3A_903 : vector<16xi32> to vector<16x1xi32>
        %gather3A_905 = vector.shape_cast %broadcast_in_dim3A_904 : vector<16x1xi32> to vector<16xi32>
        %gather3A_906 = tpu.dynamic_gather %select_n3A_767[%gather3A_905] in [0] : vector<16xf32>, vector<16xi32> -> vector<16xf32>
        %add3A_907 = arith.addf %select_n3A_767, %gather3A_906 : vector<16xf32>
        %and3A_908 = arith.constant 4 : i32
        %and3A_909 = vector.broadcast %and3A_908 : i32 to vector<16xi32>
        %and3A_910 = arith.andi %iota3A, %and3A_909 : vector<16xi32>
        %eq3A_911 = arith.constant 0 : i32
        %eq3A_912 = vector.broadcast %eq3A_911 : i32 to vector<16xi32>
        %eq3A_913 = arith.cmpi eq, %and3A_910, %eq3A_912 : vector<16xi32>
        %select_n3A_914 = arith.select %eq3A_913, %add3A_900, %add3A_907 : vector<16xi1>, vector<16xf32>
        %xor3A_915 = arith.constant 4 : i32
        %xor3A_916 = vector.broadcast %xor3A_915 : i32 to vector<16xi32>
        %xor3A_917 = arith.xori %iota3A, %xor3A_916 : vector<16xi32>
        %broadcast_in_dim3A_918 = vector.shape_cast %xor3A_917 : vector<16xi32> to vector<16x1xi32>
        %gather3A_919 = vector.shape_cast %broadcast_in_dim3A_918 : vector<16x1xi32> to vector<16xi32>
        %gather3A_920 = tpu.dynamic_gather %select_n3A_788[%gather3A_919] in [0] : vector<16xf32>, vector<16xi32> -> vector<16xf32>
        %add3A_921 = arith.addf %select_n3A_788, %gather3A_920 : vector<16xf32>
        %xor3A_922 = arith.constant 4 : i32
        %xor3A_923 = vector.broadcast %xor3A_922 : i32 to vector<16xi32>
        %xor3A_924 = arith.xori %iota3A, %xor3A_923 : vector<16xi32>
        %broadcast_in_dim3A_925 = vector.shape_cast %xor3A_924 : vector<16xi32> to vector<16x1xi32>
        %gather3A_926 = vector.shape_cast %broadcast_in_dim3A_925 : vector<16x1xi32> to vector<16xi32>
        %gather3A_927 = tpu.dynamic_gather %select_n3A_809[%gather3A_926] in [0] : vector<16xf32>, vector<16xi32> -> vector<16xf32>
        %add3A_928 = arith.addf %select_n3A_809, %gather3A_927 : vector<16xf32>
        %and3A_929 = arith.constant 4 : i32
        %and3A_930 = vector.broadcast %and3A_929 : i32 to vector<16xi32>
        %and3A_931 = arith.andi %iota3A, %and3A_930 : vector<16xi32>
        %eq3A_932 = arith.constant 0 : i32
        %eq3A_933 = vector.broadcast %eq3A_932 : i32 to vector<16xi32>
        %eq3A_934 = arith.cmpi eq, %and3A_931, %eq3A_933 : vector<16xi32>
        %select_n3A_935 = arith.select %eq3A_934, %add3A_921, %add3A_928 : vector<16xi1>, vector<16xf32>
        %xor3A_936 = arith.constant 4 : i32
        %xor3A_937 = vector.broadcast %xor3A_936 : i32 to vector<16xi32>
        %xor3A_938 = arith.xori %iota3A, %xor3A_937 : vector<16xi32>
        %broadcast_in_dim3A_939 = vector.shape_cast %xor3A_938 : vector<16xi32> to vector<16x1xi32>
        %gather3A_940 = vector.shape_cast %broadcast_in_dim3A_939 : vector<16x1xi32> to vector<16xi32>
        %gather3A_941 = tpu.dynamic_gather %select_n3A_830[%gather3A_940] in [0] : vector<16xf32>, vector<16xi32> -> vector<16xf32>
        %add3A_942 = arith.addf %select_n3A_830, %gather3A_941 : vector<16xf32>
        %xor3A_943 = arith.constant 4 : i32
        %xor3A_944 = vector.broadcast %xor3A_943 : i32 to vector<16xi32>
        %xor3A_945 = arith.xori %iota3A, %xor3A_944 : vector<16xi32>
        %broadcast_in_dim3A_946 = vector.shape_cast %xor3A_945 : vector<16xi32> to vector<16x1xi32>
        %gather3A_947 = vector.shape_cast %broadcast_in_dim3A_946 : vector<16x1xi32> to vector<16xi32>
        %gather3A_948 = tpu.dynamic_gather %select_n3A_851[%gather3A_947] in [0] : vector<16xf32>, vector<16xi32> -> vector<16xf32>
        %add3A_949 = arith.addf %select_n3A_851, %gather3A_948 : vector<16xf32>
        %and3A_950 = arith.constant 4 : i32
        %and3A_951 = vector.broadcast %and3A_950 : i32 to vector<16xi32>
        %and3A_952 = arith.andi %iota3A, %and3A_951 : vector<16xi32>
        %eq3A_953 = arith.constant 0 : i32
        %eq3A_954 = vector.broadcast %eq3A_953 : i32 to vector<16xi32>
        %eq3A_955 = arith.cmpi eq, %and3A_952, %eq3A_954 : vector<16xi32>
        %select_n3A_956 = arith.select %eq3A_955, %add3A_942, %add3A_949 : vector<16xi1>, vector<16xf32>
        %xor3A_957 = arith.constant 4 : i32
        %xor3A_958 = vector.broadcast %xor3A_957 : i32 to vector<16xi32>
        %xor3A_959 = arith.xori %iota3A, %xor3A_958 : vector<16xi32>
        %broadcast_in_dim3A_960 = vector.shape_cast %xor3A_959 : vector<16xi32> to vector<16x1xi32>
        %gather3A_961 = vector.shape_cast %broadcast_in_dim3A_960 : vector<16x1xi32> to vector<16xi32>
        %gather3A_962 = tpu.dynamic_gather %select_n3A_872[%gather3A_961] in [0] : vector<16xf32>, vector<16xi32> -> vector<16xf32>
        %add3A_963 = arith.addf %select_n3A_872, %gather3A_962 : vector<16xf32>
        %xor3A_964 = arith.constant 4 : i32
        %xor3A_965 = vector.broadcast %xor3A_964 : i32 to vector<16xi32>
        %xor3A_966 = arith.xori %iota3A, %xor3A_965 : vector<16xi32>
        %broadcast_in_dim3A_967 = vector.shape_cast %xor3A_966 : vector<16xi32> to vector<16x1xi32>
        %gather3A_968 = vector.shape_cast %broadcast_in_dim3A_967 : vector<16x1xi32> to vector<16xi32>
        %gather3A_969 = tpu.dynamic_gather %select_n3A_893[%gather3A_968] in [0] : vector<16xf32>, vector<16xi32> -> vector<16xf32>
        %add3A_970 = arith.addf %select_n3A_893, %gather3A_969 : vector<16xf32>
        %and3A_971 = arith.constant 4 : i32
        %and3A_972 = vector.broadcast %and3A_971 : i32 to vector<16xi32>
        %and3A_973 = arith.andi %iota3A, %and3A_972 : vector<16xi32>
        %eq3A_974 = arith.constant 0 : i32
        %eq3A_975 = vector.broadcast %eq3A_974 : i32 to vector<16xi32>
        %eq3A_976 = arith.cmpi eq, %and3A_973, %eq3A_975 : vector<16xi32>
        %select_n3A_977 = arith.select %eq3A_976, %add3A_963, %add3A_970 : vector<16xi1>, vector<16xf32>
        %xor3A_978 = arith.constant 2 : i32
        %xor3A_979 = vector.broadcast %xor3A_978 : i32 to vector<16xi32>
        %xor3A_980 = arith.xori %iota3A, %xor3A_979 : vector<16xi32>
        %broadcast_in_dim3A_981 = vector.shape_cast %xor3A_980 : vector<16xi32> to vector<16x1xi32>
        %gather3A_982 = vector.shape_cast %broadcast_in_dim3A_981 : vector<16x1xi32> to vector<16xi32>
        %gather3A_983 = tpu.dynamic_gather %select_n3A_914[%gather3A_982] in [0] : vector<16xf32>, vector<16xi32> -> vector<16xf32>
        %add3A_984 = arith.addf %select_n3A_914, %gather3A_983 : vector<16xf32>
        %xor3A_985 = arith.constant 2 : i32
        %xor3A_986 = vector.broadcast %xor3A_985 : i32 to vector<16xi32>
        %xor3A_987 = arith.xori %iota3A, %xor3A_986 : vector<16xi32>
        %broadcast_in_dim3A_988 = vector.shape_cast %xor3A_987 : vector<16xi32> to vector<16x1xi32>
        %gather3A_989 = vector.shape_cast %broadcast_in_dim3A_988 : vector<16x1xi32> to vector<16xi32>
        %gather3A_990 = tpu.dynamic_gather %select_n3A_935[%gather3A_989] in [0] : vector<16xf32>, vector<16xi32> -> vector<16xf32>
        %add3A_991 = arith.addf %select_n3A_935, %gather3A_990 : vector<16xf32>
        %and3A_992 = arith.constant 2 : i32
        %and3A_993 = vector.broadcast %and3A_992 : i32 to vector<16xi32>
        %and3A_994 = arith.andi %iota3A, %and3A_993 : vector<16xi32>
        %eq3A_995 = arith.constant 0 : i32
        %eq3A_996 = vector.broadcast %eq3A_995 : i32 to vector<16xi32>
        %eq3A_997 = arith.cmpi eq, %and3A_994, %eq3A_996 : vector<16xi32>
        %select_n3A_998 = arith.select %eq3A_997, %add3A_984, %add3A_991 : vector<16xi1>, vector<16xf32>
        %xor3A_999 = arith.constant 2 : i32
        %xor3A_1000 = vector.broadcast %xor3A_999 : i32 to vector<16xi32>
        %xor3A_1001 = arith.xori %iota3A, %xor3A_1000 : vector<16xi32>
        %broadcast_in_dim3A_1002 = vector.shape_cast %xor3A_1001 : vector<16xi32> to vector<16x1xi32>
        %gather3A_1003 = vector.shape_cast %broadcast_in_dim3A_1002 : vector<16x1xi32> to vector<16xi32>
        %gather3A_1004 = tpu.dynamic_gather %select_n3A_956[%gather3A_1003] in [0] : vector<16xf32>, vector<16xi32> -> vector<16xf32>
        %add3A_1005 = arith.addf %select_n3A_956, %gather3A_1004 : vector<16xf32>
        %xor3A_1006 = arith.constant 2 : i32
        %xor3A_1007 = vector.broadcast %xor3A_1006 : i32 to vector<16xi32>
        %xor3A_1008 = arith.xori %iota3A, %xor3A_1007 : vector<16xi32>
        %broadcast_in_dim3A_1009 = vector.shape_cast %xor3A_1008 : vector<16xi32> to vector<16x1xi32>
        %gather3A_1010 = vector.shape_cast %broadcast_in_dim3A_1009 : vector<16x1xi32> to vector<16xi32>
        %gather3A_1011 = tpu.dynamic_gather %select_n3A_977[%gather3A_1010] in [0] : vector<16xf32>, vector<16xi32> -> vector<16xf32>
        %add3A_1012 = arith.addf %select_n3A_977, %gather3A_1011 : vector<16xf32>
        %and3A_1013 = arith.constant 2 : i32
        %and3A_1014 = vector.broadcast %and3A_1013 : i32 to vector<16xi32>
        %and3A_1015 = arith.andi %iota3A, %and3A_1014 : vector<16xi32>
        %eq3A_1016 = arith.constant 0 : i32
        %eq3A_1017 = vector.broadcast %eq3A_1016 : i32 to vector<16xi32>
        %eq3A_1018 = arith.cmpi eq, %and3A_1015, %eq3A_1017 : vector<16xi32>
        %select_n3A_1019 = arith.select %eq3A_1018, %add3A_1005, %add3A_1012 : vector<16xi1>, vector<16xf32>
        %xor3A_1020 = arith.constant 1 : i32
        %xor3A_1021 = vector.broadcast %xor3A_1020 : i32 to vector<16xi32>
        %xor3A_1022 = arith.xori %iota3A, %xor3A_1021 : vector<16xi32>
        %broadcast_in_dim3A_1023 = vector.shape_cast %xor3A_1022 : vector<16xi32> to vector<16x1xi32>
        %gather3A_1024 = vector.shape_cast %broadcast_in_dim3A_1023 : vector<16x1xi32> to vector<16xi32>
        %gather3A_1025 = tpu.dynamic_gather %select_n3A_998[%gather3A_1024] in [0] : vector<16xf32>, vector<16xi32> -> vector<16xf32>
        %add3A_1026 = arith.addf %select_n3A_998, %gather3A_1025 : vector<16xf32>
        %xor3A_1027 = arith.constant 1 : i32
        %xor3A_1028 = vector.broadcast %xor3A_1027 : i32 to vector<16xi32>
        %xor3A_1029 = arith.xori %iota3A, %xor3A_1028 : vector<16xi32>
        %broadcast_in_dim3A_1030 = vector.shape_cast %xor3A_1029 : vector<16xi32> to vector<16x1xi32>
        %gather3A_1031 = vector.shape_cast %broadcast_in_dim3A_1030 : vector<16x1xi32> to vector<16xi32>
        %gather3A_1032 = tpu.dynamic_gather %select_n3A_1019[%gather3A_1031] in [0] : vector<16xf32>, vector<16xi32> -> vector<16xf32>
        %add3A_1033 = arith.addf %select_n3A_1019, %gather3A_1032 : vector<16xf32>
        %and3A_1034 = arith.constant 1 : i32
        %and3A_1035 = vector.broadcast %and3A_1034 : i32 to vector<16xi32>
        %and3A_1036 = arith.andi %iota3A, %and3A_1035 : vector<16xi32>
        %eq3A_1037 = arith.constant 0 : i32
        %eq3A_1038 = vector.broadcast %eq3A_1037 : i32 to vector<16xi32>
        %eq3A_1039 = arith.cmpi eq, %and3A_1036, %eq3A_1038 : vector<16xi32>
        %select_n3A_1040 = arith.select %eq3A_1039, %add3A_1026, %add3A_1033 : vector<16xi1>, vector<16xf32>
        %add3A_1041 = vector.broadcast %mul3A_549 : i32 to vector<16xi32>
        %add3A_1042 = arith.addi %add3A_1041, %and3A_6 : vector<16xi32>
        %gather3A_1043 = tpu.vector_load_idx %arg13[%add3A_1042] : memref<400xf32, #tpu.memory_space<vmem>>[vector<16xi32>], vector<16xf32>,
        %mul3A_1044 = arith.mulf %select_n3A_1040, %gather3A_1043 : vector<16xf32>
        %mul3A_1045 = arith.constant 2.500000e-01 : f32
        %mul3A_1046 = vector.broadcast %mul3A_1045 : f32 to vector<16xf32>
        %mul3A_1047 = arith.mulf %mul3A_1044, %mul3A_1046 : vector<16xf32>
        %exp3A_1048 = math.exp %mul3A_1047 : vector<16xf32>
        tpu.vector_store_idx %arg16[%add3A_1042, %and3A_9], %exp3A_1048 : memref<400x8xf32, #tpu.memory_space<vmem>>[vector<16xi32>, vector<16xi32>], vector<16xf32>,
        %mul3A_1049 = arith.constant 16 : i32
        %mul3A_1050 = arith.muli %mul3A_1049, %scan3A_547 : i32
        %swap3A_1051 = arith.index_cast %mul3A_1050 : i32 to index
        %swap3A_1052 = tpu.vector_load %arg17[%swap3A_1051] {strides = array<i32>} : memref<3200xf32, #tpu.memory_space<vmem>>, vector<16xf32>,
        tpu.vector_store %arg17[%swap3A_1051], %exp3A_1048 {strides = array<i32>} : memref<3200xf32, #tpu.memory_space<vmem>>, vector<16xf32>,
      }
      %scan3A_44 = arith.constant 200 : i32
      %mul3A_45 = arith.constant 8 : i32
      %mul3A_46 = arith.muli %add3A_28, %mul3A_45 : i32
      "tpu.region"() ({
        %run_scoped3A = tpu.sem_alloc : memref<!tpu.dma_semaphore, #tpu.memory_space<semaphore_mem>>
        %dma_start3A_47 = tpu.memref_slice %arg8[%mul3A_46] : memref<2560000xf32, #tpu.memory_space<hbm>> -> memref<3200xf32, #tpu.memory_space<hbm>>
        %dma_start3A_48 = tpu.memref_slice %arg8[%mul3A_46] : memref<2560000xf32, #tpu.memory_space<hbm>> -> memref<3200xf32, #tpu.memory_space<hbm>>
        tpu.enqueue_dma source(%arg17 : memref<3200xf32, #tpu.memory_space<vmem>>) target(%dma_start3A_48 : memref<3200xf32, #tpu.memory_space<hbm>>) target_semaphore(%run_scoped3A : memref<!tpu.dma_semaphore, #tpu.memory_space<semaphore_mem>>)
        %dma_wait3A_49 = tpu.memref_slice %arg8[%mul3A_46] : memref<2560000xf32, #tpu.memory_space<hbm>> -> memref<3200xf32, #tpu.memory_space<hbm>>
        %dma_wait3A_50 = tpu.memref_slice %arg8[%mul3A_46] : memref<2560000xf32, #tpu.memory_space<hbm>> -> memref<3200xf32, #tpu.memory_space<hbm>>
        tpu.wait_dma2 semaphore(%run_scoped3A : memref<!tpu.dma_semaphore, #tpu.memory_space<semaphore_mem>>) src(%arg17 : memref<3200xf32, #tpu.memory_space<vmem>>) dst(%dma_wait3A_50 : memref<3200xf32, #tpu.memory_space<hbm>>)
        tpu.yield
      }) : () -> ()
      "tpu.region"() ({
        %run_scoped3A = tpu.sem_alloc : memref<!tpu.dma_semaphore, #tpu.memory_space<semaphore_mem>>
        %dma_start3A_47 = arith.constant 0 : i32
        %dma_start3A_48 = arith.constant 0 : i32
        %dma_start3A_49 = tpu.memref_slice %arg19[%dma_start3A_47, %dma_start3A_48] : memref<10240x8xf32, #tpu.memory_space<vmem_shared>> -> memref<10240x8xf32, #tpu.memory_space<vmem_shared>>
        tpu.enqueue_indirect_dma source(%arg16 : memref<400x8xf32, #tpu.memory_space<vmem>>) target(%dma_start3A_49 : memref<10240x8xf32, #tpu.memory_space<vmem_shared>>) offsets(%arg12 : memref<400xi32, #tpu.memory_space<vmem>>) semaphore(%run_scoped3A : memref<!tpu.dma_semaphore, #tpu.memory_space<semaphore_mem>>) {add = true}
        %dma_wait3A_50 = arith.constant 0 : i32
        %dma_wait3A_51 = arith.constant 0 : i32
        %dma_wait3A_52 = tpu.memref_slice %arg19[%dma_wait3A_50, %dma_wait3A_51] : memref<10240x8xf32, #tpu.memory_space<vmem_shared>> -> memref<10240x8xf32, #tpu.memory_space<vmem_shared>>
        tpu.wait_indirect_dma semaphore(%run_scoped3A : memref<!tpu.dma_semaphore, #tpu.memory_space<semaphore_mem>>) src(%arg16 : memref<400x8xf32, #tpu.memory_space<vmem>>) dst(%dma_wait3A_52 : memref<10240x8xf32, #tpu.memory_space<vmem_shared>>)
        tpu.yield
      }) : () -> ()
    }
    %scan3A_14 = arith.constant 25 : i32
    %barrier3A_15 = arith.constant 0 : index
    tpu.barrier barrier_id(%barrier3A_15)
    "tpu.region"() ({
      %run_scoped3A = tpu.sem_alloc : memref<!tpu.dma_semaphore, #tpu.memory_space<semaphore_mem>>
      %dma_start3A = arith.constant 0 : i32
      %dma_start3A_23 = tpu.memref_slice %arg19[%mul3A_2, %dma_start3A] : memref<10240x8xf32, #tpu.memory_space<vmem_shared>> -> memref<640x8xf32, #tpu.memory_space<vmem_shared>>
      %dma_start3A_24 = arith.constant 0 : i32
      %dma_start3A_25 = tpu.memref_slice %arg19[%mul3A_2, %dma_start3A_24] : memref<10240x8xf32, #tpu.memory_space<vmem_shared>> -> memref<640x8xf32, #tpu.memory_space<vmem_shared>>
      tpu.enqueue_dma source(%dma_start3A_25 : memref<640x8xf32, #tpu.memory_space<vmem_shared>>) target(%arg18 : memref<640x8xf32, #tpu.memory_space<vmem>>) target_semaphore(%run_scoped3A : memref<!tpu.dma_semaphore, #tpu.memory_space<semaphore_mem>>)
      %dma_wait3A = arith.constant 0 : i32
      %dma_wait3A_26 = tpu.memref_slice %arg19[%mul3A_2, %dma_wait3A] : memref<10240x8xf32, #tpu.memory_space<vmem_shared>> -> memref<640x8xf32, #tpu.memory_space<vmem_shared>>
      %dma_wait3A_27 = arith.constant 0 : i32
      %dma_wait3A_28 = tpu.memref_slice %arg19[%mul3A_2, %dma_wait3A_27] : memref<10240x8xf32, #tpu.memory_space<vmem_shared>> -> memref<640x8xf32, #tpu.memory_space<vmem_shared>>
      tpu.wait_dma2 semaphore(%run_scoped3A : memref<!tpu.dma_semaphore, #tpu.memory_space<semaphore_mem>>) src(%dma_wait3A_28 : memref<640x8xf32, #tpu.memory_space<vmem_shared>>) dst(%arg18 : memref<640x8xf32, #tpu.memory_space<vmem>>)
      tpu.yield
    }) : () -> ()
    %eq3A = arith.constant 0 : i32
    %eq3A_16 = arith.cmpi eq, %arg0, %eq3A : i32
    %convert_element_type3A = arith.extui %eq3A_16 : i1 to i32
    %cond3A = arith.constant 0 : i32
    %cond3A_17 = arith.cmpi ne, %convert_element_type3A, %cond3A : i32
    scf.if %cond3A_17 {
      "tpu.region"() ({
        %run_scoped3A = tpu.sem_alloc : memref<!tpu.dma_semaphore, #tpu.memory_space<semaphore_mem>>
        %dma_start3A = arith.constant 0 : i32
        %dma_start3A_23 = tpu.memref_slice %arg9[%mul3A_2, %dma_start3A] : memref<10240x8xf32, #tpu.memory_space<hbm>> -> memref<640x8xf32, #tpu.memory_space<hbm>>
        %dma_start3A_24 = arith.constant 0 : i32
        %dma_start3A_25 = tpu.memref_slice %arg9[%mul3A_2, %dma_start3A_24] : memref<10240x8xf32, #tpu.memory_space<hbm>> -> memref<640x8xf32, #tpu.memory_space<hbm>>
        tpu.enqueue_dma source(%arg18 : memref<640x8xf32, #tpu.memory_space<vmem>>) target(%dma_start3A_25 : memref<640x8xf32, #tpu.memory_space<hbm>>) target_semaphore(%run_scoped3A : memref<!tpu.dma_semaphore, #tpu.memory_space<semaphore_mem>>)
        %dma_wait3A = arith.constant 0 : i32
        %dma_wait3A_26 = tpu.memref_slice %arg9[%mul3A_2, %dma_wait3A] : memref<10240x8xf32, #tpu.memory_space<hbm>> -> memref<640x8xf32, #tpu.memory_space<hbm>>
        %dma_wait3A_27 = arith.constant 0 : i32
        %dma_wait3A_28 = tpu.memref_slice %arg9[%mul3A_2, %dma_wait3A_27] : memref<10240x8xf32, #tpu.memory_space<hbm>> -> memref<640x8xf32, #tpu.memory_space<hbm>>
        tpu.wait_dma2 semaphore(%run_scoped3A : memref<!tpu.dma_semaphore, #tpu.memory_space<semaphore_mem>>) src(%arg18 : memref<640x8xf32, #tpu.memory_space<vmem>>) dst(%dma_wait3A_28 : memref<640x8xf32, #tpu.memory_space<hbm>>)
        tpu.yield
      }) : () -> ()
    } else {
    }
    %eq3A_18 = arith.constant 1 : i32
    %eq3A_19 = arith.cmpi eq, %arg0, %eq3A_18 : i32
    %convert_element_type3A_20 = arith.extui %eq3A_19 : i1 to i32
    %cond3A_21 = arith.constant 0 : i32
    %cond3A_22 = arith.cmpi ne, %convert_element_type3A_20, %cond3A_21 : i32
    scf.if %cond3A_22 {
      "tpu.region"() ({
        %run_scoped3A = tpu.sem_alloc : memref<!tpu.dma_semaphore, #tpu.memory_space<semaphore_mem>>
        %dma_start3A = arith.constant 0 : i32
        %dma_start3A_23 = tpu.memref_slice %arg10[%mul3A_2, %dma_start3A] : memref<10240x8xf32, #tpu.memory_space<hbm>> -> memref<640x8xf32, #tpu.memory_space<hbm>>
        %dma_start3A_24 = arith.constant 0 : i32
        %dma_start3A_25 = tpu.memref_slice %arg10[%mul3A_2, %dma_start3A_24] : memref<10240x8xf32, #tpu.memory_space<hbm>> -> memref<640x8xf32, #tpu.memory_space<hbm>>
        tpu.enqueue_dma source(%arg18 : memref<640x8xf32, #tpu.memory_space<vmem>>) target(%dma_start3A_25 : memref<640x8xf32, #tpu.memory_space<hbm>>) target_semaphore(%run_scoped3A : memref<!tpu.dma_semaphore, #tpu.memory_space<semaphore_mem>>)
        %dma_wait3A = arith.constant 0 : i32
        %dma_wait3A_26 = tpu.memref_slice %arg10[%mul3A_2, %dma_wait3A] : memref<10240x8xf32, #tpu.memory_space<hbm>> -> memref<640x8xf32, #tpu.memory_space<hbm>>
        %dma_wait3A_27 = arith.constant 0 : i32
        %dma_wait3A_28 = tpu.memref_slice %arg10[%mul3A_2, %dma_wait3A_27] : memref<10240x8xf32, #tpu.memory_space<hbm>> -> memref<640x8xf32, #tpu.memory_space<hbm>>
        tpu.wait_dma2 semaphore(%run_scoped3A : memref<!tpu.dma_semaphore, #tpu.memory_space<semaphore_mem>>) src(%arg18 : memref<640x8xf32, #tpu.memory_space<vmem>>) dst(%dma_wait3A_28 : memref<640x8xf32, #tpu.memory_space<hbm>>)
        tpu.yield
      }) : () -> ()
    } else {
    }
    return
  }
}

#map = affine_map<(d0, d1) -> (0)>
#map1 = affine_map<(d0, d1) -> (0, 0)>
module attributes {stable_mosaic.version = 14 : i64} {
  func.func @_sc_norm(%arg0: i32, %arg1: i32, %arg2: memref<2560000xf32, #tpu.memory_space<hbm>>, %arg3: memref<320000xi32, #tpu.memory_space<hbm>>, %arg4: memref<10240x8xf32, #tpu.memory_space<hbm>>, %arg5: memref<10240x8xf32, #tpu.memory_space<hbm>>, %arg6: memref<2560000xf32, #tpu.memory_space<hbm>>, %arg7: memref<2000xi32, #tpu.memory_space<vmem>>, %arg8: memref<16000xf32, #tpu.memory_space<vmem>>, %arg9: memref<2000x8xf32, #tpu.memory_space<vmem>>, %arg10: memref<2000x8xf32, #tpu.memory_space<vmem>>, %arg11: memref<16000xf32, #tpu.memory_space<vmem>>, %arg12: memref<!tpu.dma_semaphore, #tpu.memory_space<semaphore_mem>>, %arg13: memref<!tpu.dma_semaphore, #tpu.memory_space<semaphore_mem>>) attributes {dimension_semantics = [#tpu.dimension_semantics<core_parallel>, #tpu.dimension_semantics<subcore_parallel>], iteration_bounds = array<i64: 2, 16>, scalar_prefetch = 0 : i64, scratch_operands = 7 : i64, tpu.core_type = #tpu.core_type<sc_vector_subcore>, window_params = [{transform_indices = #map}, {transform_indices = #map}, {transform_indices = #map1}, {transform_indices = #map1}, {transform_indices = #map}]} {
    %mul3A = arith.constant 2 : i32
    %mul3A_0 = arith.muli %arg1, %mul3A : i32
    %add3A = arith.addi %mul3A_0, %arg0 : i32
    %iota3A = tpu.iota {dimensions = array<i32: 0>} : vector<16xi32>
    %shift_right_arithmetic3A = arith.constant 3 : i32
    %shift_right_arithmetic3A_1 = vector.broadcast %shift_right_arithmetic3A : i32 to vector<16xi32>
    %shift_right_arithmetic3A_2 = arith.shrsi %iota3A, %shift_right_arithmetic3A_1 : vector<16xi32>
    %and3A = arith.constant 1 : i32
    %and3A_3 = vector.broadcast %and3A : i32 to vector<16xi32>
    %and3A_4 = arith.andi %shift_right_arithmetic3A_2, %and3A_3 : vector<16xi32>
    %and3A_5 = arith.constant 7 : i32
    %and3A_6 = vector.broadcast %and3A_5 : i32 to vector<16xi32>
    %and3A_7 = arith.andi %iota3A, %and3A_6 : vector<16xi32>
    %scan3A = arith.constant 0 : i32
    %scan3A_8 = arith.constant 0 : i32
    %scan3A_9 = arith.constant 5 : i32
    %scan3A_10 = arith.addi %scan3A_8, %scan3A_9 : i32
    %scan3A_11 = arith.constant 1 : i32
    scf.for %scan3A_13 = %scan3A_8 to %scan3A_10 step %scan3A_11  : i32 {
      %mul3A_14 = arith.constant 10000 : i32
      %mul3A_15 = arith.muli %add3A, %mul3A_14 : i32
      %mul3A_16 = arith.constant 2000 : i32
      %mul3A_17 = arith.muli %scan3A_13, %mul3A_16 : i32
      %add3A_18 = arith.addi %mul3A_15, %mul3A_17 : i32
      "tpu.region"() ({
        %run_scoped3A = tpu.sem_alloc : memref<!tpu.dma_semaphore, #tpu.memory_space<semaphore_mem>>
        %dma_start3A_39 = tpu.memref_slice %arg3[%add3A_18] : memref<320000xi32, #tpu.memory_space<hbm>> -> memref<2000xi32, #tpu.memory_space<hbm>>
        %dma_start3A_40 = tpu.memref_slice %arg3[%add3A_18] : memref<320000xi32, #tpu.memory_space<hbm>> -> memref<2000xi32, #tpu.memory_space<hbm>>
        tpu.enqueue_dma source(%dma_start3A_40 : memref<2000xi32, #tpu.memory_space<hbm>>) target(%arg7 : memref<2000xi32, #tpu.memory_space<vmem>>) target_semaphore(%run_scoped3A : memref<!tpu.dma_semaphore, #tpu.memory_space<semaphore_mem>>)
        %dma_wait3A_41 = tpu.memref_slice %arg3[%add3A_18] : memref<320000xi32, #tpu.memory_space<hbm>> -> memref<2000xi32, #tpu.memory_space<hbm>>
        %dma_wait3A_42 = tpu.memref_slice %arg3[%add3A_18] : memref<320000xi32, #tpu.memory_space<hbm>> -> memref<2000xi32, #tpu.memory_space<hbm>>
        tpu.wait_dma2 semaphore(%run_scoped3A : memref<!tpu.dma_semaphore, #tpu.memory_space<semaphore_mem>>) src(%dma_wait3A_42 : memref<2000xi32, #tpu.memory_space<hbm>>) dst(%arg7 : memref<2000xi32, #tpu.memory_space<vmem>>)
        tpu.yield
      }) : () -> ()
      %mul3A_19 = arith.constant 8 : i32
      %mul3A_20 = arith.muli %add3A_18, %mul3A_19 : i32
      "tpu.region"() ({
        %run_scoped3A = tpu.sem_alloc : memref<!tpu.dma_semaphore, #tpu.memory_space<semaphore_mem>>
        %dma_start3A_39 = tpu.memref_slice %arg2[%mul3A_20] : memref<2560000xf32, #tpu.memory_space<hbm>> -> memref<16000xf32, #tpu.memory_space<hbm>>
        %dma_start3A_40 = tpu.memref_slice %arg2[%mul3A_20] : memref<2560000xf32, #tpu.memory_space<hbm>> -> memref<16000xf32, #tpu.memory_space<hbm>>
        tpu.enqueue_dma source(%dma_start3A_40 : memref<16000xf32, #tpu.memory_space<hbm>>) target(%arg8 : memref<16000xf32, #tpu.memory_space<vmem>>) target_semaphore(%run_scoped3A : memref<!tpu.dma_semaphore, #tpu.memory_space<semaphore_mem>>)
        %dma_wait3A_41 = tpu.memref_slice %arg2[%mul3A_20] : memref<2560000xf32, #tpu.memory_space<hbm>> -> memref<16000xf32, #tpu.memory_space<hbm>>
        %dma_wait3A_42 = tpu.memref_slice %arg2[%mul3A_20] : memref<2560000xf32, #tpu.memory_space<hbm>> -> memref<16000xf32, #tpu.memory_space<hbm>>
        tpu.wait_dma2 semaphore(%run_scoped3A : memref<!tpu.dma_semaphore, #tpu.memory_space<semaphore_mem>>) src(%dma_wait3A_42 : memref<16000xf32, #tpu.memory_space<hbm>>) dst(%arg8 : memref<16000xf32, #tpu.memory_space<vmem>>)
        tpu.yield
      }) : () -> ()
      %dma_start3A = arith.constant 0 : i32
      %dma_start3A_21 = arith.constant 0 : i32
      %dma_start3A_22 = tpu.memref_slice %arg4[%dma_start3A, %dma_start3A_21] : memref<10240x8xf32, #tpu.memory_space<hbm>> -> memref<10240x8xf32, #tpu.memory_space<hbm>>
      tpu.enqueue_indirect_dma source(%dma_start3A_22 : memref<10240x8xf32, #tpu.memory_space<hbm>>) target(%arg9 : memref<2000x8xf32, #tpu.memory_space<vmem>>) offsets(%arg7 : memref<2000xi32, #tpu.memory_space<vmem>>) semaphore(%arg12 : memref<!tpu.dma_semaphore, #tpu.memory_space<semaphore_mem>>)
      %dma_start3A_23 = arith.constant 0 : i32
      %dma_start3A_24 = arith.constant 0 : i32
      %dma_start3A_25 = tpu.memref_slice %arg5[%dma_start3A_23, %dma_start3A_24] : memref<10240x8xf32, #tpu.memory_space<hbm>> -> memref<10240x8xf32, #tpu.memory_space<hbm>>
      tpu.enqueue_indirect_dma source(%dma_start3A_25 : memref<10240x8xf32, #tpu.memory_space<hbm>>) target(%arg10 : memref<2000x8xf32, #tpu.memory_space<vmem>>) offsets(%arg7 : memref<2000xi32, #tpu.memory_space<vmem>>) semaphore(%arg13 : memref<!tpu.dma_semaphore, #tpu.memory_space<semaphore_mem>>)
      %dma_wait3A = arith.constant 0 : i32
      %dma_wait3A_26 = arith.constant 0 : i32
      %dma_wait3A_27 = tpu.memref_slice %arg4[%dma_wait3A, %dma_wait3A_26] : memref<10240x8xf32, #tpu.memory_space<hbm>> -> memref<10240x8xf32, #tpu.memory_space<hbm>>
      tpu.wait_indirect_dma semaphore(%arg12 : memref<!tpu.dma_semaphore, #tpu.memory_space<semaphore_mem>>) src(%dma_wait3A_27 : memref<10240x8xf32, #tpu.memory_space<hbm>>) dst(%arg9 : memref<2000x8xf32, #tpu.memory_space<vmem>>)
      %dma_wait3A_28 = arith.constant 0 : i32
      %dma_wait3A_29 = arith.constant 0 : i32
      %dma_wait3A_30 = tpu.memref_slice %arg5[%dma_wait3A_28, %dma_wait3A_29] : memref<10240x8xf32, #tpu.memory_space<hbm>> -> memref<10240x8xf32, #tpu.memory_space<hbm>>
      tpu.wait_indirect_dma semaphore(%arg13 : memref<!tpu.dma_semaphore, #tpu.memory_space<semaphore_mem>>) src(%dma_wait3A_30 : memref<10240x8xf32, #tpu.memory_space<hbm>>) dst(%arg10 : memref<2000x8xf32, #tpu.memory_space<vmem>>)
      %scan3A_31 = arith.constant 0 : i32
      %scan3A_32 = arith.constant 0 : i32
      %scan3A_33 = arith.constant 1000 : i32
      %scan3A_34 = arith.addi %scan3A_32, %scan3A_33 : i32
      %scan3A_35 = arith.constant 1 : i32
      scf.for %scan3A_39 = %scan3A_32 to %scan3A_34 step %scan3A_35  : i32 {
        %mul3A_40 = arith.constant 2 : i32
        %mul3A_41 = arith.muli %mul3A_40, %scan3A_39 : i32
        %add3A_42 = vector.broadcast %mul3A_41 : i32 to vector<16xi32>
        %add3A_43 = arith.addi %add3A_42, %and3A_4 : vector<16xi32>
        %mul3A_44 = arith.constant 16 : i32
        %mul3A_45 = arith.muli %mul3A_44, %scan3A_39 : i32
        %get3A = arith.index_cast %mul3A_45 : i32 to index
        %get3A_46 = tpu.vector_load %arg8[%get3A] {strides = array<i32>} : memref<16000xf32, #tpu.memory_space<vmem>>, vector<16xf32>,
        %gather3A = tpu.vector_load_idx %arg9[%add3A_43, %and3A_7] : memref<2000x8xf32, #tpu.memory_space<vmem>>[vector<16xi32>, vector<16xi32>], vector<16xf32>,
        %gather3A_47 = tpu.vector_load_idx %arg10[%add3A_43, %and3A_7] : memref<2000x8xf32, #tpu.memory_space<vmem>>[vector<16xi32>, vector<16xi32>], vector<16xf32>,
        %add3A_48 = arith.addf %gather3A, %gather3A_47 : vector<16xf32>
        %add3A_49 = arith.constant 1.000000e-16 : f32
        %add3A_50 = vector.broadcast %add3A_49 : f32 to vector<16xf32>
        %add3A_51 = arith.addf %add3A_48, %add3A_50 : vector<16xf32>
        %div3A = arith.divf %get3A_46, %add3A_51 : vector<16xf32>
        %mul3A_52 = arith.constant 16 : i32
        %mul3A_53 = arith.muli %mul3A_52, %scan3A_39 : i32
        %swap3A = arith.index_cast %mul3A_53 : i32 to index
        %swap3A_54 = tpu.vector_load %arg11[%swap3A] {strides = array<i32>} : memref<16000xf32, #tpu.memory_space<vmem>>, vector<16xf32>,
        tpu.vector_store %arg11[%swap3A], %div3A {strides = array<i32>} : memref<16000xf32, #tpu.memory_space<vmem>>, vector<16xf32>,
      }
      %scan3A_36 = arith.constant 1000 : i32
      %mul3A_37 = arith.constant 8 : i32
      %mul3A_38 = arith.muli %add3A_18, %mul3A_37 : i32
      "tpu.region"() ({
        %run_scoped3A = tpu.sem_alloc : memref<!tpu.dma_semaphore, #tpu.memory_space<semaphore_mem>>
        %dma_start3A_39 = tpu.memref_slice %arg6[%mul3A_38] : memref<2560000xf32, #tpu.memory_space<hbm>> -> memref<16000xf32, #tpu.memory_space<hbm>>
        %dma_start3A_40 = tpu.memref_slice %arg6[%mul3A_38] : memref<2560000xf32, #tpu.memory_space<hbm>> -> memref<16000xf32, #tpu.memory_space<hbm>>
        tpu.enqueue_dma source(%arg11 : memref<16000xf32, #tpu.memory_space<vmem>>) target(%dma_start3A_40 : memref<16000xf32, #tpu.memory_space<hbm>>) target_semaphore(%run_scoped3A : memref<!tpu.dma_semaphore, #tpu.memory_space<semaphore_mem>>)
        %dma_wait3A_41 = tpu.memref_slice %arg6[%mul3A_38] : memref<2560000xf32, #tpu.memory_space<hbm>> -> memref<16000xf32, #tpu.memory_space<hbm>>
        %dma_wait3A_42 = tpu.memref_slice %arg6[%mul3A_38] : memref<2560000xf32, #tpu.memory_space<hbm>> -> memref<16000xf32, #tpu.memory_space<hbm>>
        tpu.wait_dma2 semaphore(%run_scoped3A : memref<!tpu.dma_semaphore, #tpu.memory_space<semaphore_mem>>) src(%arg11 : memref<16000xf32, #tpu.memory_space<vmem>>) dst(%dma_wait3A_42 : memref<16000xf32, #tpu.memory_space<hbm>>)
        tpu.yield
      }) : () -> ()
    }
    %scan3A_12 = arith.constant 5 : i32
    return
  }
}

module attributes {stable_mosaic.version = 14 : i64} {
  func.func @_proj_body(%arg0: i32, %arg1: memref<2000x128xf32, #tpu.memory_space<vmem>>, %arg2: memref<128x128xf32, #tpu.memory_space<vmem>>, %arg3: memref<128x128xf32, #tpu.memory_space<vmem>>, %arg4: memref<128x128xf32, #tpu.memory_space<vmem>>, %arg5: memref<128xf32, #tpu.memory_space<vmem>>, %arg6: memref<128xf32, #tpu.memory_space<vmem>>, %arg7: memref<128xf32, #tpu.memory_space<vmem>>, %arg8: memref<2000x128xf32, #tpu.memory_space<vmem>>, %arg9: memref<2000x128xf32, #tpu.memory_space<vmem>>, %arg10: memref<2000x128xf32, #tpu.memory_space<vmem>>) attributes {dimension_semantics = [#tpu.dimension_semantics<arbitrary>], iteration_bounds = array<i64: 5>, scalar_prefetch = 0 : i64, scratch_operands = 0 : i64, tpu.core_type = #tpu.core_type<tc>, window_params = [{transform_indices = @transform_0, window_bounds = array<i64: 2000, 128>}, {pipeline_mode = #tpu.pipeline_mode<synchronous>, transform_indices = @transform_1, window_bounds = array<i64: 128, 128>}, {pipeline_mode = #tpu.pipeline_mode<synchronous>, transform_indices = @transform_2, window_bounds = array<i64: 128, 128>}, {pipeline_mode = #tpu.pipeline_mode<synchronous>, transform_indices = @transform_3, window_bounds = array<i64: 128, 128>}, {pipeline_mode = #tpu.pipeline_mode<synchronous>, transform_indices = @transform_4, window_bounds = array<i64: 128>}, {pipeline_mode = #tpu.pipeline_mode<synchronous>, transform_indices = @transform_5, window_bounds = array<i64: 128>}, {pipeline_mode = #tpu.pipeline_mode<synchronous>, transform_indices = @transform_6, window_bounds = array<i64: 128>}, {transform_indices = @transform_7, window_bounds = array<i64: 2000, 128>}, {transform_indices = @transform_8, window_bounds = array<i64: 2000, 128>}, {transform_indices = @transform_9, window_bounds = array<i64: 2000, 128>}]} {
    %get3A = arith.constant 0 : index
    %get3A_0 = arith.constant 0 : index
    %get3A_1 = vector.load %arg1[%get3A, %get3A_0] : memref<2000x128xf32, #tpu.memory_space<vmem>>, vector<2000x128xf32>
    %get3A_2 = arith.constant 0 : index
    %get3A_3 = arith.constant 0 : index
    %get3A_4 = vector.load %arg2[%get3A_2, %get3A_3] : memref<128x128xf32, #tpu.memory_space<vmem>>, vector<128x128xf32>
    %transpose3A = tpu.transpose %get3A_4, [1, 0] : vector<128x128xf32> -> vector<128x128xf32>
    %dot_general3A = arith.constant dense<0.000000e+00> : vector<2000x128xf32>
    %dot_general3A_5 = tpu.matmul %get3A_1, %transpose3A, %dot_general3A {dimension_numbers = #tpu.dot_dimension_numbers<[1], [0], [0], [1], [0, 0, 1, 1], [], []>, transpose_lhs_hint = false} : vector<2000x128xf32>, vector<128x128xf32>, vector<2000x128xf32> -> vector<2000x128xf32>
    %get3A_6 = arith.constant 0 : index
    %get3A_7 = vector.load %arg5[%get3A_6] : memref<128xf32, #tpu.memory_space<vmem>>, vector<128xf32>
    %broadcast_in_dim3A = vector.shape_cast %get3A_7 : vector<128xf32> to vector<1x128xf32>
    %add3A = vector.broadcast %broadcast_in_dim3A : vector<1x128xf32> to vector<2000x128xf32>
    %add3A_8 = arith.addf %dot_general3A_5, %add3A : vector<2000x128xf32>
    %swap3A = arith.constant 0 : index
    %swap3A_9 = arith.constant 0 : index
    %swap3A_10 = vector.load %arg8[%swap3A, %swap3A_9] : memref<2000x128xf32, #tpu.memory_space<vmem>>, vector<2000x128xf32>
    tpu.vector_store %arg8[%swap3A, %swap3A_9], %add3A_8 {strides = array<i32>} : memref<2000x128xf32, #tpu.memory_space<vmem>>, vector<2000x128xf32>,
    %get3A_11 = arith.constant 0 : index
    %get3A_12 = arith.constant 0 : index
    %get3A_13 = vector.load %arg3[%get3A_11, %get3A_12] : memref<128x128xf32, #tpu.memory_space<vmem>>, vector<128x128xf32>
    %transpose3A_14 = tpu.transpose %get3A_13, [1, 0] : vector<128x128xf32> -> vector<128x128xf32>
    %dot_general3A_15 = arith.constant dense<0.000000e+00> : vector<2000x128xf32>
    %dot_general3A_16 = tpu.matmul %get3A_1, %transpose3A_14, %dot_general3A_15 {dimension_numbers = #tpu.dot_dimension_numbers<[1], [0], [0], [1], [0, 0, 1, 1], [], []>, transpose_lhs_hint = false} : vector<2000x128xf32>, vector<128x128xf32>, vector<2000x128xf32> -> vector<2000x128xf32>
    %get3A_17 = arith.constant 0 : index
    %get3A_18 = vector.load %arg6[%get3A_17] : memref<128xf32, #tpu.memory_space<vmem>>, vector<128xf32>
    %broadcast_in_dim3A_19 = vector.shape_cast %get3A_18 : vector<128xf32> to vector<1x128xf32>
    %add3A_20 = vector.broadcast %broadcast_in_dim3A_19 : vector<1x128xf32> to vector<2000x128xf32>
    %add3A_21 = arith.addf %dot_general3A_16, %add3A_20 : vector<2000x128xf32>
    %swap3A_22 = arith.constant 0 : index
    %swap3A_23 = arith.constant 0 : index
    %swap3A_24 = vector.load %arg9[%swap3A_22, %swap3A_23] : memref<2000x128xf32, #tpu.memory_space<vmem>>, vector<2000x128xf32>
    tpu.vector_store %arg9[%swap3A_22, %swap3A_23], %add3A_21 {strides = array<i32>} : memref<2000x128xf32, #tpu.memory_space<vmem>>, vector<2000x128xf32>,
    %get3A_25 = arith.constant 0 : index
    %get3A_26 = arith.constant 0 : index
    %get3A_27 = vector.load %arg4[%get3A_25, %get3A_26] : memref<128x128xf32, #tpu.memory_space<vmem>>, vector<128x128xf32>
    %transpose3A_28 = tpu.transpose %get3A_27, [1, 0] : vector<128x128xf32> -> vector<128x128xf32>
    %dot_general3A_29 = arith.constant dense<0.000000e+00> : vector<2000x128xf32>
    %dot_general3A_30 = tpu.matmul %get3A_1, %transpose3A_28, %dot_general3A_29 {dimension_numbers = #tpu.dot_dimension_numbers<[1], [0], [0], [1], [0, 0, 1, 1], [], []>, transpose_lhs_hint = false} : vector<2000x128xf32>, vector<128x128xf32>, vector<2000x128xf32> -> vector<2000x128xf32>
    %get3A_31 = arith.constant 0 : index
    %get3A_32 = vector.load %arg7[%get3A_31] : memref<128xf32, #tpu.memory_space<vmem>>, vector<128xf32>
    %broadcast_in_dim3A_33 = vector.shape_cast %get3A_32 : vector<128xf32> to vector<1x128xf32>
    %add3A_34 = vector.broadcast %broadcast_in_dim3A_33 : vector<1x128xf32> to vector<2000x128xf32>
    %add3A_35 = arith.addf %dot_general3A_30, %add3A_34 : vector<2000x128xf32>
    %swap3A_36 = arith.constant 0 : index
    %swap3A_37 = arith.constant 0 : index
    %swap3A_38 = vector.load %arg10[%swap3A_36, %swap3A_37] : memref<2000x128xf32, #tpu.memory_space<vmem>>, vector<2000x128xf32>
    tpu.vector_store %arg10[%swap3A_36, %swap3A_37], %add3A_35 {strides = array<i32>} : memref<2000x128xf32, #tpu.memory_space<vmem>>, vector<2000x128xf32>,
    return
  }
  func.func @transform_0(%arg0: i32) -> (i32, i32) {
    %c0_i32 = arith.constant 0 : i32
    %c0_i32_0 = arith.constant 0 : i32
    return %arg0, %c0_i32 : i32, i32
  }
  func.func @transform_1(%arg0: i32) -> (i32, i32) {
    %c0_i32 = arith.constant 0 : i32
    %c0_i32_0 = arith.constant 0 : i32
    %c0_i32_1 = arith.constant 0 : i32
    return %c0_i32, %c0_i32_0 : i32, i32
  }
  func.func @transform_2(%arg0: i32) -> (i32, i32) {
    %c0_i32 = arith.constant 0 : i32
    %c0_i32_0 = arith.constant 0 : i32
    %c0_i32_1 = arith.constant 0 : i32
    return %c0_i32, %c0_i32_0 : i32, i32
  }
  func.func @transform_3(%arg0: i32) -> (i32, i32) {
    %c0_i32 = arith.constant 0 : i32
    %c0_i32_0 = arith.constant 0 : i32
    %c0_i32_1 = arith.constant 0 : i32
    return %c0_i32, %c0_i32_0 : i32, i32
  }
  func.func @transform_4(%arg0: i32) -> i32 {
    %c0_i32 = arith.constant 0 : i32
    %c0_i32_0 = arith.constant 0 : i32
    return %c0_i32 : i32
  }
  func.func @transform_5(%arg0: i32) -> i32 {
    %c0_i32 = arith.constant 0 : i32
    %c0_i32_0 = arith.constant 0 : i32
    return %c0_i32 : i32
  }
  func.func @transform_6(%arg0: i32) -> i32 {
    %c0_i32 = arith.constant 0 : i32
    %c0_i32_0 = arith.constant 0 : i32
    return %c0_i32 : i32
  }
  func.func @transform_7(%arg0: i32) -> (i32, i32) {
    %c0_i32 = arith.constant 0 : i32
    %c0_i32_0 = arith.constant 0 : i32
    return %arg0, %c0_i32 : i32, i32
  }
  func.func @transform_8(%arg0: i32) -> (i32, i32) {
    %c0_i32 = arith.constant 0 : i32
    %c0_i32_0 = arith.constant 0 : i32
    return %arg0, %c0_i32 : i32, i32
  }
  func.func @transform_9(%arg0: i32) -> (i32, i32) {
    %c0_i32 = arith.constant 0 : i32
    %c0_i32_0 = arith.constant 0 : i32
    return %arg0, %c0_i32 : i32, i32
  }
}

</mosaic_0001>

<sc_bundles>
// kernel: kernel.5.cloned.1.call-start
scs
__scs_entry_jumppad:
0x0: {  	(pc) =	sbr.rel $0x88, $3  }
0x1: {  	(tag) =	ssettag $0x0;
	lr =	simm.s32 $0x1  }
0x2: {  	[smem:$0x3F98] =	sst lr;
	_ =	strace $0xD0000000  }
0x3: {  	_ = 	snop  }
0x4: {  	_ = 	snop  }
0x5: {  	_ = 	snop  }
0x6: {  	_ = 	snop  }
0x7: {  	_ = 	snop  }
__scs_overlays_trampoline_lowered:
0x8: {  	[smem:$0x3FA7] =	sst s0  }
0x9: {  	[smem:$0x3FA8] =	sst s1  }
0xa: {  	[smem:$0x3FA9] =	sst s2  }
0xb: {  	[smem:$0x3FAA] =	sst s3  }
0xc: {  	[smem:$0x3FAB] =	sst s4  }
0xd: {  	[smem:$0x3FAC] =	sst s5  }
0xe: {  	[smem:$0x3FAD] =	sst s6  }
0xf: {  	[smem:$0x3FAE] =	sst s7  }
0x10: {  	[smem:$0x3FAF] =	sst s8  }
0x11: {  	[smem:$0x3FB0] =	sst s9;
	s0 =	simm.s32 @!p0 $0x0  }
0x12: {  	s1 =	sld [smem:$0x3F96];
	s0 =	simm.s32 @p0 $0x1  }
0x13: {  	[smem:$0x3FB1] =	sst s0;
	s0 =	simm.s32 @!p1 $0x0  }
0x14: {  	s2 =	sld [smem:$0x3F95];
	s0 =	simm.s32 @p1 $0x1  }
0x15: {  	[smem:$0x3FB2] =	sst s0;
	s0 =	simm.s32 @!p2 $0x0  }
0x16: {  	s3 =	sld [smem:$0x3FDB];
	s0 =	simm.s32 @p2 $0x1  }
0x17: {  	s4 =	simm.s32 $0x1BF5;
	[smem:$0x3FB4] =	sst s0  }
0x18: {  	s0 =	sld [smem:$0x3F97];
	_ =	swait.ge [sflag:s4], $0x0  }
0x19: {  	s7 =	sld [smem:$0x3F98]  }
0x1a: {  	s8 =	sadd.s32 $0xFFFFE003, lr  }
0x1b: {  	s9 =	sadd.s32 $0xFFFFFEF7, lr;
	s5 =	simm.s32 $0xFFFFFFFF;
	p2 =	slt.u32 s8, $0xFFFFF086  }
0x1c: {  	p1 =	slt.u32 s9, $0xF7A;
	s5 =	simm.s32 @!p2 $0x0  }
0x1d: {  	s5 =	simm.s32 @p1 $0x1;
	p0 =	seq.s32 s7, s2  }
0x1e: {  	s7 =	smul.u32 @!p0 $0xF7A, s2;
	p2 =	seq.s32 @!p0 s5, $0x0  }
0x1f: {  	s9 =	smul.u32 $0xF7A, s1;
	s8 =	simm.s32 @!p0 $0x1BF5;
	p2 =	por !p2, p0  }
0x20: {  	[sflag:s8] =	ssyncset.s32 @!p0 $0xFFFFF086;
	s6 =	sadd.s32 @!p0 s3, s7;
	s7 =	simm.s32 @!p0 $0x108  }
0x21: {  	s3 =	sadd.s32 s3, s9;
	s6 =	sadd.s32 @!p0 $0x88, s6;
	s7 =	simm.s32 @p2 $0x1082  }
0x22: {  	[simem:s7], [sflag:s8] =	dma.local @!p0 [hbm:s6], $0xF7A  }
0x23: {  	s9 =	sor.u32 $0xD0000000, s2;
	s6 =	simm.s32 $0x108;
	_ =	swait.ge @!p0 [sflag:s8], $0x0  }
0x24: {  	s3 =	sadd.s32 $0x88, s3;
	s6 =	simm.s32 @!p1 $0x1082;
	[sflag:s4] =	ssyncset.s32 $0xFFFFF086  }
0x25: {  	[simem:s6], [sflag:s4] =	dma.local [hbm:s3], $0xF7A  }
0x26: {  	[smem:$0x3F98] =	sst s1;
	(tag) =	ssettag s2;
	_ =	strace s9  }
0x27: {  	s1 =	sld [smem:$0x3FA8]  }
0x28: {  	s2 =	sld [smem:$0x3FA9]  }
0x29: {  	s4 =	sld [smem:$0x3FAB]  }
0x2a: {  	p0 =	seq.s32 s5, $0x0;
	s5 =	sld [smem:$0x3FAC]  }
0x2b: {  	s6 =	sld [smem:$0x3FAD]  }
0x2c: {  	s7 =	sld [smem:$0x3FAE]  }
0x2d: {  	s3 =	simm.s32 $0x108;
	s8 =	sld [smem:$0x3FAF]  }
0x2e: {  	s3 =	simm.s32 @!p0 $0x1082;
	s9 =	sld [smem:$0x3FB0]  }
0x2f: {  	lr =	sadd.s32 s0, s3;
	s0 =	sld [smem:$0x3FA7]  }
0x30: {  	s3 =	sld [smem:$0x3FAA]  }
0x31: {  	[smem:$0x3FB3] =	sst s10  }
0x32: {  	s10 =	sld [smem:$0x3FB1];
	_ =	sdelay $0x3  }
0x33: {  	p0 =	seq.s32 s10, $0x1;
	s10 =	sld [smem:$0x3FB3];
	_ =	sdelay $0x3  }
0x34: {  	[smem:$0x3FB3] =	sst s10  }
0x35: {  	s10 =	sld [smem:$0x3FB2];
	_ =	sdelay $0x3  }
0x36: {  	p1 =	seq.s32 s10, $0x1;
	s10 =	sld [smem:$0x3FB3];
	_ =	sdelay $0x3  }
0x37: {  	[smem:$0x3FB3] =	sst s10  }
0x38: {  	s10 =	sld [smem:$0x3FB4]  }
0x39: {  	_ = 	snop;
	(pc) =	sbr.ind lr, $3  }
0x3a: {  	_ = 	snop  }
0x3b: {  	_ = 	snop  }
0x3c: {  	p2 =	seq.s32 s10, $0x1;
	s10 =	sld [smem:$0x3FB3]  }
0x3d: {  	_ =	shalt  }
0x3e: {  	_ =	shalt  }
0x3f: {  	_ =	shalt  }
0x40: {  	_ =	shalt  }
0x41: {  	_ =	shalt  }
0x42: {  	_ =	shalt  }
0x43: {  	_ =	shalt  }
0x44: {  	_ =	shalt  }
0x45: {  	_ =	shalt  }
0x46: {  	_ =	shalt  }
0x47: {  	_ =	shalt  }
0x48: {  	_ =	shalt  }
0x49: {  	_ =	shalt  }
0x4a: {  	_ =	shalt  }
0x4b: {  	_ =	shalt  }
0x4c: {  	_ =	shalt  }
0x4d: {  	_ =	shalt  }
0x4e: {  	_ =	shalt  }
0x4f: {  	_ =	shalt  }
0x50: {  	_ =	shalt  }
0x51: {  	_ =	shalt  }
0x52: {  	_ =	shalt  }
0x53: {  	_ =	shalt  }
0x54: {  	_ =	shalt  }
0x55: {  	_ =	shalt  }
0x56: {  	_ =	shalt  }
0x57: {  	_ =	shalt  }
0x58: {  	_ =	shalt  }
0x59: {  	_ =	shalt  }
0x5a: {  	_ =	shalt  }
0x5b: {  	_ =	shalt  }
0x5c: {  	_ =	shalt  }
0x5d: {  	_ =	shalt  }
0x5e: {  	_ =	shalt  }
0x5f: {  	_ =	shalt  }
0x60: {  	_ =	shalt  }
0x61: {  	_ =	shalt  }
0x62: {  	_ =	shalt  }
0x63: {  	_ =	shalt  }
0x64: {  	_ =	shalt  }
0x65: {  	_ =	shalt  }
0x66: {  	_ =	shalt  }
0x67: {  	_ =	shalt  }
0x68: {  	_ =	shalt  }
0x69: {  	_ =	shalt  }
0x6a: {  	_ =	shalt  }
0x6b: {  	_ =	shalt  }
0x6c: {  	_ =	shalt  }
0x6d: {  	_ =	shalt  }
0x6e: {  	_ =	shalt  }
0x6f: {  	_ =	shalt  }
0x70: {  	_ =	shalt  }
0x71: {  	_ =	shalt  }
0x72: {  	_ =	shalt  }
0x73: {  	_ =	shalt  }
0x74: {  	_ =	shalt  }
0x75: {  	_ =	shalt  }
0x76: {  	_ =	shalt  }
0x77: {  	_ =	shalt  }
0x78: {  	_ =	shalt  }
0x79: {  	_ =	shalt  }
0x7a: {  	_ =	shalt  }
0x7b: {  	_ =	shalt  }
0x7c: {  	_ =	shalt  }
0x7d: {  	_ =	shalt  }
0x7e: {  	_ =	shalt  }
0x7f: {  	_ =	shalt  }
0x80: {  	_ =	shalt  }
0x81: {  	_ =	shalt  }
0x82: {  	_ =	shalt  }
0x83: {  	_ =	shalt  }
0x84: {  	_ =	shalt  }
0x85: {  	_ =	shalt  }
0x86: {  	_ =	shalt  }
0x87: {  	_ =	shalt  }
.Lfunc_end0:
.L_simem_size_0:
called_computation_lowered:
.L_overlay_start_0:
0x88: {  	s2 =	sld [smem:$0x3FD9]  }
0x89: {  	s3 =	sld [smem:$0x3FFE];
	_ =	sdelay $0x1  }
0x8a: {  	s1 =	srdreg.scid  }
0x8b: {  	s0 =	sand.u32 $0x1, s1  }
0x8c: {  	s14 =	sshll.u32 s0, $0xA;
	s2 =	sadd.s32 s3, s2  }
0x8d: {  	s2 =	sadd.s32 s2, s14  }
0x8e: {  	[smem:$0x3FBF] =	sst s2  }
0x8f: {  	_ = 	snop  }
0x90: {  	s2 =	sld [smem:$0x3FD0];
	_ =	sdelay $0x2  }
0x91: {  	s4 =	simm.s32 $0xA;
	s5 =	simm.s32 $0x10;
	s15 =	sld [smem:$0x3FC7]  }
0x92: {  	[smem:s5], [sflag:s4] =	dma.local [hbm:s2], $0x1  }
0x93: {  	_ =	swait.eq [sflag:s4], $0x1  }
0x94: {  	[sflag:s4] =	ssyncset.done $0x0  }
0x95: {  	s16 =	sld [smem:$0x10];
	[sflag:s4] =	ssyncadd.s32 $0xFFFFFFFF  }
0x96: {  	s17 =	sld [smem:$0x11];
	(tm) =	ssettm $0x1  }
0x97: {  	s18 =	sld [smem:$0x3FFB];
	_ =	sdelay $0x3  }
0x98: {  	_ =	strace s18  }
0x99: {  	s5 =	sld [smem:$0x3FFC];
	_ =	sdelay $0x3  }
0x9a: {  	_ =	strace s5  }
0x9b: {  	s5 =	sld [smem:$0x3FFD];
	_ =	sdelay $0x3  }
0x9c: {  	_ =	strace s5  }
0x9d: {  	_ =	strace $0x8FFFFFFF  }
0x9e: {  	s19 =	sld [smem:$0x3FDB];
	_ =	sdelay $0x1  }
0x9f: {  	s6 =	simm.s32 $_scs_section_size  }
0xa0: {  	s7 =	simm.s32 $_size__tile_overlayer_lowered;
	s8 =	simm.s32 $_tile_overlayer_lowered  }
0xa1: {  	s22 =	simm.s32 $0x1BFF;
	s21 =	sshll.u32 s8, $0x1;
	s5 =	sadd.s32 s6, s19  }
0xa2: {  	s9 =	simm.s32 $0x0;
	s20 =	sshll.u32 s7, $0x1;
	s7 =	sadd.s32 s21, s5  }
0xa3: {  	[timem:s9], [sflag:s22] =	dma.local [hbm:s7], s20  }
0xa4: {  	_ =	swait.ge [sflag:s22], s20  }
0xa5: {  	s6 =	ssub.s32 $0x0, s20;
	[sflag:s22] =	ssyncset.done $0x0  }
0xa6: {  	[sflag:s22] =	ssyncadd.s32 s6;
	_ =	sdelay $0x1  }
0xa7: {  	s23 =	simm.s32 $0x1B8B  }
0xa8: {  	_ =	swait.ge [sflag:s23], $0x1  }
0xa9: {  	[sflag:s23] =	ssyncset.done $0x0  }
0xaa: {  	s25 =	simm.s32 $0x1B8E;
	s24 =	sld [smem:$0x3FFE];
	[sflag:s23] =	ssyncadd.s32 $0xFFFFFFFF  }
0xab: {  	s26 =	simm.s32 $execute0_lowered;
	[smem:$0x3FD2] =	sst s25  }
0xac: {  	s7 =	sshll.u32 s26, $0x1;
	_ =	strace $0x80000046;
	[dreg:$0x1] =	wrdreg $0xFFFFFFFF  }
0xad: {  	s28 =	simm.s32 $_size_execute0_lowered;
	s5 =	sadd.s32 s5, s7;
	[dreg:$0x0] =	wrdreg $0x0  }
0xae: {  	s7 =	sshll.u32 s28, $0x1;
	[dreg:$0x2] =	wrdreg s5  }
0xaf: {  	[dreg:$0x3] =	wrdreg s7  }
0xb0: {  	[dreg:$0x4] =	wrdreg $0xC0  }
0xb1: {  	_ =	task [dreg:s9], $0x5FFFF  }
0xb2: {  	[dreg:$0x1] =	wrdreg $0xFFFFFFFF  }
0xb3: {  	[dreg:$0x0] =	wrdreg $0x60  }
0xb4: {  	[dreg:$0x2] =	wrdreg s17  }
0xb5: {  	[dreg:$0x3] =	wrdreg s16  }
0xb6: {  	[dreg:$0x4] =	wrdreg s24  }
0xb7: {  	[dreg:$0x5] =	wrdreg s15  }
0xb8: {  	[dreg:$0x6] =	wrdreg $0x1C1B00  }
0xb9: {  	[dreg:$0x7] =	wrdreg $0x9  }
0xba: {  	_ =	task.clear_ibuf [dreg:s9], $0x8FFFF;
	_ =	strace $0x90000046  }
0xbb: {  	s29 =	simm.s32 $0x9;
	_ =	strace $0x80000048  }
0xbc: {  	_ =	swait.ge [sflag:s29], $0x1  }
0xbd: {  	[sflag:s29] =	ssyncadd.s32 $0xFFFFFFFF  }
0xbe: {  	_ =	strace $0x90000048  }
0xbf: {  	_ =	sfence  }
0xc0: {  	s30 =	sld [smem:$0x0];
	_ =	sdelay $0x2  }
0xc1: {  	s31 =	sshll.u32 s1, $0xD;
	s1 =	sshrl.u32 s1, $0x2  }
0xc2: {  	s3 =	sand.u32 $0x4000, s31;
	s1 =	sadd.s32 s1, s30  }
0xc3: {  	s0 =	sor.u32 s3, s0;
	s1 =	sshll.u32 s1, $0x11  }
0xc4: {  	s0 =	sor.u32 s1, s0  }
0xc5: {  	s0 =	sadd.s32 $0x8F2B, s0  }
0xc6: {  	[sflag:s0] =	ssyncadd.remote.s32 $0x1  }
0xc7: {  	_ =	sfence.sel $0xFFFF  }
0xc8: {  	[dreg:$0x0] =	wrdreg $0xFFFFFFFF;
	(pc) =	sbr.abs _section_cstart, $3  }
0xc9: {  	[dreg:$0x1] =	wrdreg $0xFFFFFFFF  }
0xca: {  	_ =	task.clear_ibuf [dreg:s9], $0x2FFFF;
	_ =	strace $0x9FFFFFFF  }
0xcb: {  	(tm) =	ssettm $0x7FFFFFFF  }
tec
execute0_lowered:
.L_overlay_start_1:
0x0: {  	(tag) =	ssettag $0x1  }
0x1: {  	v0 =	vimm.s32 $0x76543210  }
0x2: {  	v1 =	vimm.s32 $0xFEDCBA98;
	v2 =	vimm.s32 $0xBA98FEDC;
	v3 =	vimm.s32 $0x32107654  }
0x3: {  	s0 =	rddreg [dreg:$0x0];
	vm1 =	vcmask $0x2F20;
	vm2 =	vcmask $0xF00;
	vm3 =	vcmask $0x700  }
0x4: {  	s1 =	rddreg [dreg:$0x1];
	v1 =	vunpack.c.l.s4.s8 v1;
	v0 =	vunpack.c.l.s4.s8 v0;
	v2 =	vunpack.c.l.s4.s8 v2  }
0x5: {  	s3 =	rddreg [dreg:$0x2];
	v3 =	vunpack.c.l.s4.s8 v3;
	vm1 =	vmor vm2, vm1;
	vm2 =	vcmask $0x1710  }
0x6: {  	s2 =	rddreg [dreg:$0x3];
	vm2 =	vmor vm3, vm2;
	vm3 =	vcmask $0x2720;
	v1 =	vunpack.c.0.s8.s32 v1  }
0x7: {  	s4 =	rddreg [dreg:$0x4];
	s5 =	simm.s32 $0x0;
	v0 =	vunpack.c.0.s8.s32 v0;
	v2 =	vunpack.c.0.s8.s32 v2;
	v3 =	vunpack.c.0.s8.s32 v3  }
0x8: {  	s7 =	srdreg.scid;
	s14 =	stileid.u32;
	s17 =	simm.s32 $0x3;
	vm2 =	vmor vm2, vm3;
	vm3 =	vcmask $0x3730;
	v1 =	vand.u32 $0xF, v1  }
0x9: {  	vm4 =	vcmask $0x300;
	s18 =	simm.s32 $0x190;
	s19 =	simm.s32 $0x320;
	s20 =	simm.s32 $0x4B0;
	vm2 =	vmor vm2, vm3;
	v0 =	vcombine.low v1, v0  }
0xa: {  	s21 =	simm.s32 $0xCCB0;
	s22 =	simm.s32 $0x1;
	s23 =	simm.s32 $0x2;
	v1 =	vcombine.low v3, v2;
	v2 =	vimm.s32 $0xDCFE98BA;
	v3 =	vimm.s32 $0x54761032  }
0xb: {  	s24 =	simm.s32 $0x194B0;
	s25 =	simm.s32 $0x1A130;
	s28 =	simm.s32 $0x0;
	vm3 =	vcmask $0xB08;
	v2 =	vunpack.c.l.s4.s8 v2;
	v3 =	vunpack.c.l.s4.s8 v3  }
0xc: {  	vm0 =	vmmov $0xff;
	v4 =	vimm.s32 $0xEFCDAB89;
	[smem:$0x7FF] =	sst s5;
	s6 =	sadd.s32 $0x1600, s3;
	s8 =	sand.u32 $0x1, s7;
	vm3 =	vmor vm4, vm3  }
0xd: {  	s7 =	sadd.s32 $0xB400, s3;
	s9 =	sadd.s32 $0x15200, s3;
	s10 =	sadd.s32 $0x15600, s3;
	vm4 =	vcmask $0x1310;
	v2 =	vunpack.c.0.s8.s32 v2;
	v3 =	vunpack.c.0.s8.s32 v3  }
0xe: {  	v5 =	vimm.s32 $0x67452301;
	v4 =	vunpack.c.l.s4.s8 v4;
	s29 =	sshll.u32 s14, $0x1;
	s12 =	smul.u32 $0x1400, s14;
	s14 =	sshll.u32 s14, $0x6;
	vm3 =	vmor vm3, vm4  }
0xf: {  	_ =	strace $0x80000047;
	[dreg:$0x6] =	wrdreg s9;
	s26 =	ssub.s32 $0x2, s8;
	vm4 =	vcmask $0x1B18;
	v2 =	vcombine.low v3, v2;
	v3 =	vunpack.c.l.s4.s8 v5  }
0x10: {  	s13 =	sor.u32 s8, s29;
	p0 =	seq.s32 s8, $0x1;
	s8 =	simm.s32 $0x66000;
	v4 =	vunpack.c.0.s8.s32 v4;
	vm3 =	vmor vm3, vm4;
	vm4 =	vcmask $0x2320  }
0x11: {  	s14 =	sor.u32 $0x1C03, s14;
	s11 =	sshrl.u32 s26, $0x1;
	s30 =	sadd.s32 s12, s4;
	vm3 =	vmor vm3, vm4;
	vm4 =	vcmask $0x2B28;
	v3 =	vunpack.c.0.s8.s32 v3  }
0x12: {  	s8 =	simm.s32 @!p0 $0x63800;
	[dreg:$0x7] =	wrdreg s14;
	s12 =	sshrl.u32 s12, $0x3;
	v1 =	vand.u32 $0xF, v1;
	vm3 =	vmor vm3, vm4;
	vm4 =	vcmask $0x3330  }
0x13: {  	s13 =	smul.u32 $0x2710, s13;
	s9 =	ssub.s32 s26, s11;
	s3 =	sadd.s32 s8, s3;
	vm3 =	vmor vm3, vm4;
	vm4 =	vcmask $0x3B38;
	v3 =	vcombine.low v3, v4  }
0x14: {  	s14 =	smov.u32 s30;
	s16 =	sshrl.u32 s30, $0x3;
	s31 =	smax.u32 s9, $0x1;
	v5 =	vlaneseq.u32;
	vm3 =	vmor vm3, vm4;
	v2 =	vand.u32 $0xF, v2  }
0x15: {  	s26 =	simm.s32 $0x1ADB0;
	s15 =	sadd.s32 s3, s12;
	[dreg:$0x8] =	wrdreg s31;
	v4 =	vshrl.u32 v5, $0x3;
	v5 =	vand.u32 $0x7, v5;
	v3 =	vand.u32 $0xF, v3  }
.LBB2_1:
0x16: {  	s3 =	rddreg [dreg:$0x6]  }
0x17: {  	s8 =	rddreg [dreg:$0x7]  }
0x18: {  	[spmem:s16], [sflag:s8] =	dma.local [hbm:s3], $0x280  }
0x19: {  	_ =	swait.ge [sflag:s17], $0x280  }
0x1a: {  	[sflag:s17] =	ssyncset.done $0x0  }
0x1b: {  	[sflag:s17] =	ssyncadd.s32 $0xFFFFFD80  }
0x1c: {  	s29 =	simm.s32 $0x0;
	[bflag:$0x0] =	sbarrier.arrive $0xFFFF  }
.LBB2_2:
0x1d: {  	s3 =	smul.u32 $0x190, s29;
	_ =	sdelay $0x1  }
0x1e: {  	s30 =	sadd.s32 s13, s3  }
0x1f: {  	s3 =	sshrl.u32 s30, $0x3  }
0x20: {  	s31 =	simm.s32 $0x0;
	s8 =	sadd.s32 s6, s3  }
0x21: {  	[tilespmem:s31], [sflag:$0x3] =	stream.linear.gather [hbm4b:s8+s31], $0x190, $0x38;
	[tilespmem:$0x1D5B0] =	vst v63  }
0x22: {  	_ =	swait.ge [sflag:s17], $0x190  }
0x23: {  	[sflag:s17] =	ssyncset.done $0x0  }
0x24: {  	s12 =	sadd.s32 s7, s3;
	[sflag:s17] =	ssyncadd.s32 $0xFFFFFE70  }
0x25: {  	[tilespmem:s18], [sflag:$0x3] =	stream.linear.gather [hbm4b:s12+s31], $0x190, $0x38;
	[tilespmem:$0x1D5B0] =	vst v63  }
0x26: {  	_ =	swait.ge [sflag:s17], $0x190  }
0x27: {  	[sflag:s17] =	ssyncset.done $0x0  }
0x28: {  	s3 =	sadd.s32 s2, s3;
	[sflag:s17] =	ssyncadd.s32 $0xFFFFFE70  }
0x29: {  	[tilespmem:s19], [sflag:$0x3] =	stream.linear.gather [hbm4b:s3+s31], $0x190, $0x38;
	[tilespmem:$0x1D5B0] =	vst v63  }
0x2a: {  	_ =	swait.ge [sflag:s17], $0x190  }
0x2b: {  	[sflag:s17] =	ssyncset.done $0x0  }
0x2c: {  	[sflag:s17] =	ssyncadd.s32 $0xFFFFFE70  }
0x2d: {  	[tilespmem:s20], [sflag:$0x1] =	stream.indirect.gather [hbm4b:s0+s18], $0x80, s31, s18, $0xb8;
	[tilespmem:$0x1D5B0] =	vst v63  }
0x2e: {  	_ = 	snop  }
0x2f: {  	[tilespmem:s21], [sflag:$0x2] =	stream.indirect.gather [hbm4b:s1+s18], $0x80, s18, s18, $0xb8;
	[tilespmem:$0x1D5B0] =	vst v63  }
0x30: {  	_ =	swait.ge [sflag:s22], $0xC800  }
0x31: {  	[sflag:s22] =	ssyncset.done $0x0  }
0x32: {  	[sflag:s22] =	ssyncadd.s32 $0xFFFF3800  }
0x33: {  	_ =	swait.ge [sflag:s23], $0xC800  }
0x34: {  	s9 =	simm.s32 $0x1A140;
	s8 =	simm.s32 $0x5B0;
	[sflag:s23] =	ssyncset.done $0x0  }
0x35: {  	s12 =	simm.s32 $0xCDB0;
	s3 =	simm.s32 $0xFFFFFFFE;
	[sflag:s23] =	ssyncadd.s32 $0xFFFF3800  }
.LBB2_3:
0x36: {  	v6 =	vld [tilespmem:s8+$0xFFFFFF00]  }
0x37: {  	v7 =	vld [tilespmem:s12+$0xFFFFFF00]  }
0x38: {  	v8 =	vld [tilespmem:s8+$0xFFFFFF80]  }
0x39: {  	v9 =	vld [tilespmem:s12+$0xFFFFFF80]  }
0x3a: {  	v10 =	vld [tilespmem:s8+$0xFFFFFF40]  }
0x3b: {  	v11 =	vld [tilespmem:s12+$0xFFFFFF40]  }
0x3c: {  	v12 =	vld [tilespmem:s8+$0xFFFFFFC0]  }
0x3d: {  	v13 =	vld [tilespmem:s12+$0xFFFFFFC0]  }
0x3e: {  	v14 =	vld [tilespmem:s8+$0xFFFFFF20]  }
0x3f: {  	v15 =	vld [tilespmem:s12+$0xFFFFFF20]  }
0x40: {  	v16 =	vld [tilespmem:s8+$0xFFFFFFA0]  }
0x41: {  	v17 =	vld [tilespmem:s12+$0xFFFFFFA0]  }
0x42: {  	v18 =	vld [tilespmem:s8+$0xFFFFFF60]  }
0x43: {  	v19 =	vld [tilespmem:s12+$0xFFFFFF60]  }
0x44: {  	v20 =	vld [tilespmem:s8+$0xFFFFFFE0]  }
0x45: {  	v21 =	vld [tilespmem:s12+$0xFFFFFFE0]  }
0x46: {  	v22 =	vld [tilespmem:s8+$0xFFFFFF10]  }
0x47: {  	v23 =	vld [tilespmem:s12+$0xFFFFFF10]  }
0x48: {  	v24 =	vld [tilespmem:s8+$0xFFFFFF90]  }
0x49: {  	v25 =	vld [tilespmem:s12+$0xFFFFFF90]  }
0x4a: {  	v26 =	vld [tilespmem:s8+$0xFFFFFF50]  }
0x4b: {  	v27 =	vld [tilespmem:s12+$0xFFFFFF50]  }
0x4c: {  	v28 =	vld [tilespmem:s8+$0xFFFFFFD0]  }
0x4d: {  	v29 =	vld [tilespmem:s12+$0xFFFFFFD0]  }
0x4e: {  	v30 =	vld [tilespmem:s8+$0xFFFFFF30]  }
0x4f: {  	v31 =	vld [tilespmem:s12+$0xFFFFFF30]  }
0x50: {  	v44 =	vld [tilespmem:s8+$0xFFFFFF70]  }
0x51: {  	v47 =	vld [tilespmem:s12+$0xFFFFFF70];
	v6 =	vmul.f32 v7, v6;
	v8 =	vmul.f32 v9, v8  }
0x52: {  	v52 =	vld [tilespmem:s8+$0xFFFFFFF0];
	v40 =	vmul.f32 v11, v10;
	v42 =	vmul.f32 v13, v12  }
0x53: {  	v55 =	vld [tilespmem:s12+$0xFFFFFFF0];
	v43 =	vmul.f32 v15, v14;
	v45 =	vmul.f32 v17, v16  }
0x54: {  	v46 =	vmul.f32 v19, v18;
	v48 =	vmul.f32 v21, v20  }
0x55: {  	v49 =	vmul.f32 v23, v22;
	v50 =	vmul.f32 v25, v24  }
0x56: {  	v51 =	vmul.f32 v27, v26;
	v53 =	vmul.f32 v29, v28  }
0x57: {  	v54 =	vmul.f32 v31, v30;
	v13 =	vmul.f32 v47, v44  }
0x58: {  	v21 =	vmul.f32 v55, v52;
	v56 =	vperm.xlane v6, v0  }
0x59: {  	v57 =	vperm.xlane v8, v0;
	v58 =	vperm.xlane v40, v0  }
0x5a: {  	v59 =	vperm.xlane v42, v0;
	v60 =	vperm.xlane v43, v0  }
0x5b: {  	v61 =	vperm.xlane v45, v0;
	v24 =	vperm.xlane v46, v0  }
0x5c: {  	v25 =	vperm.xlane v48, v0;
	v26 =	vperm.xlane v49, v0  }
0x5d: {  	v27 =	vperm.xlane v50, v0;
	v6 =	vadd.f32 v56, v6;
	v8 =	vadd.f32 v57, v8  }
0x5e: {  	v41 =	vld [tilespmem:s12+$0xFFFFFFB0];
	v28 =	vperm.xlane v51, v0;
	v9 =	vadd.f32 v58, v40;
	v62 =	vadd.f32 v59, v42  }
0x5f: {  	v7 =	vld [tilespmem:s8+$0xFFFFFFB0];
	v30 =	vperm.xlane v54, v0;
	v63 =	vadd.f32 v60, v43;
	v16 =	vadd.f32 v61, v45  }
0x60: {  	v32 =	vperm.xlane v13, v0;
	v10 =	vadd.f32 v24, v46;
	v12 =	vadd.f32 v25, v48  }
0x61: {  	v33 =	vperm.xlane v21, v0;
	v11 =	vadd.f32 v26, v49;
	v14 =	vadd.f32 v27, v50  }
0x62: {  	v15 =	vadd.f32 v28, v51;
	v34 =	vadd.f32 v30, v54  }
0x63: {  	v29 =	vperm.xlane v53, v0;
	v13 =	vadd.f32 v32, v13;
	v35 =	vadd.f32 v33, v21  }
0x64: {  	v7 =	vmul.f32 v41, v7;
	v6 =	vsel vm0, v6, v8;
	v9 =	vsel vm0, v9, v62  }
0x65: {  	v8 =	vsel vm0, v63, v16;
	v16 =	vadd.f32 v29, v53;
	v10 =	vsel vm0, v10, v12  }
0x66: {  	v11 =	vsel vm0, v11, v14;
	v31 =	vperm.xlane v7, v0;
	v36 =	vperm.xlane v6, v1  }
0x67: {  	v38 =	vsel vm0, v13, v35;
	v37 =	vperm.xlane v9, v1;
	v39 =	vperm.xlane v8, v1  }
0x68: {  	v40 =	vperm.xlane v10, v1;
	v41 =	vperm.xlane v11, v1;
	v7 =	vadd.f32 v31, v7  }
0x69: {  	v44 =	vperm.xlane v38, v1;
	v15 =	vsel vm0, v15, v16;
	v6 =	vadd.f32 v36, v6  }
0x6a: {  	v9 =	vadd.f32 v37, v9;
	v8 =	vadd.f32 v39, v8;
	v7 =	vsel vm0, v34, v7  }
0x6b: {  	v42 =	vperm.xlane v15, v1;
	v10 =	vadd.f32 v40, v10;
	v43 =	vperm.xlane v7, v1  }
0x6c: {  	v11 =	vadd.f32 v41, v11;
	v12 =	vadd.f32 v44, v38  }
0x6d: {  	v45 =	vadd.f32 v42, v15;
	v6 =	vsel vm1, v6, v9;
	v7 =	vadd.f32 v43, v7  }
0x6e: {  	v8 =	vsel vm1, v8, v10;
	v47 =	vperm.xlane v6, v2  }
0x6f: {  	v48 =	vperm.xlane v8, v2;
	v46 =	vsel vm1, v11, v45;
	v7 =	vsel vm1, v7, v12  }
0x70: {  	v51 =	vor.u32 s31, v4;
	v49 =	vperm.xlane v46, v2;
	v50 =	vperm.xlane v7, v2  }
0x71: {  	v6 =	vadd.f32 v47, v6;
	v8 =	vadd.f32 v48, v8  }
0x72: {  	v9 =	vadd.f32 v49, v46;
	v7 =	vadd.f32 v50, v7;
	_ =	sdelay $0x1  }
0x73: {  	v6 =	vsel vm2, v6, v8;
	v7 =	vsel vm2, v9, v7  }
0x74: {  	v52 =	vld.idx.msk [tilespmem:v51+s19+$0x0], $0xffff;
	v8 =	vperm.xlane v6, v3;
	v9 =	vperm.xlane v7, v3;
	_ =	sdelay $0x1  }
0x75: {  	v6 =	vadd.f32 v8, v6;
	v7 =	vadd.f32 v9, v7;
	_ =	sdelay $0x1  }
0x76: {  	v6 =	vsel vm3, v6, v7  }
0x77: {  	v6 =	vmul.f32 v6, v52;
	_ =	sdelay $0x1  }
0x78: {  	v6 =	vmul.f32 $2.500000000e-01, v6;
	_ =	sdelay $0x1  }
0x79: {  	v6 =	vmul.f32 $1.442695020e+00, v6;
	_ =	sdelay $0x1  }
0x7a: {  	(erf) = vpow2.f32 v6;
	_ =	sdelay $0x3  }
0x7b: {  	v6 =	vshll.u32 v51, $0x3  }
0x7c: {  	v6 =	vor.u32 v5, v6;
	_ =	sdelay $0x3  }
0x7d: {  	v7 =	vpop (erf)  }
0x7e: {  	[tilespmem:v6+s24+$0x0] =	vst.idx.msk $0xffff, v7  }
0x7f: {  	[tilespmem:s9+$0xFFFFFFF0] =	vst v7  }
0x80: {  	v6 =	vld [tilespmem:s8+$0x0]  }
0x81: {  	v7 =	vld [tilespmem:s12+$0x0]  }
0x82: {  	v53 =	vld [tilespmem:s8+$0x80]  }
0x83: {  	v54 =	vld [tilespmem:s12+$0x80]  }
0x84: {  	v55 =	vld [tilespmem:s8+$0x40]  }
0x85: {  	v56 =	vld [tilespmem:s12+$0x40]  }
0x86: {  	v57 =	vld [tilespmem:s8+$0xC0]  }
0x87: {  	v58 =	vld [tilespmem:s12+$0xC0]  }
0x88: {  	v59 =	vld [tilespmem:s8+$0x20]  }
0x89: {  	v60 =	vld [tilespmem:s12+$0x20]  }
0x8a: {  	v61 =	vld [tilespmem:s8+$0xA0]  }
0x8b: {  	v62 =	vld [tilespmem:s12+$0xA0]  }
0x8c: {  	v63 =	vld [tilespmem:s8+$0x60]  }
0x8d: {  	v33 =	vld [tilespmem:s12+$0x60]  }
0x8e: {  	v34 =	vld [tilespmem:s8+$0xE0]  }
0x8f: {  	v35 =	vld [tilespmem:s12+$0xE0]  }
0x90: {  	v36 =	vld [tilespmem:s8+$0x10]  }
0x91: {  	v37 =	vld [tilespmem:s12+$0x10]  }
0x92: {  	v38 =	vld [tilespmem:s8+$0x90]  }
0x93: {  	v39 =	vld [tilespmem:s12+$0x90]  }
0x94: {  	v40 =	vld [tilespmem:s8+$0x50]  }
0x95: {  	v41 =	vld [tilespmem:s12+$0x50]  }
0x96: {  	v42 =	vld [tilespmem:s8+$0xD0]  }
0x97: {  	v43 =	vld [tilespmem:s12+$0xD0]  }
0x98: {  	v44 =	vld [tilespmem:s8+$0x30];
	v6 =	vmul.f32 v7, v6  }
0x99: {  	v45 =	vld [tilespmem:s12+$0x30];
	v8 =	vmul.f32 v54, v53;
	v46 =	vmul.f32 v56, v55  }
0x9a: {  	v48 =	vmul.f32 v58, v57;
	v49 =	vmul.f32 v60, v59  }
0x9b: {  	v51 =	vmul.f32 v62, v61;
	v52 =	vmul.f32 v33, v63  }
0x9c: {  	v54 =	vmul.f32 v35, v34;
	v55 =	vmul.f32 v37, v36  }
0x9d: {  	v56 =	vmul.f32 v39, v38;
	v57 =	vmul.f32 v41, v40  }
0x9e: {  	v59 =	vmul.f32 v43, v42;
	v60 =	vmul.f32 v45, v44  }
0x9f: {  	v62 =	vperm.xlane v6, v0;
	v63 =	vperm.xlane v8, v0  }
0xa0: {  	v47 =	vld [tilespmem:s12+$0xB0];
	v28 =	vperm.xlane v46, v0;
	v29 =	vperm.xlane v48, v0  }
0xa1: {  	v50 =	vld [tilespmem:s8+$0x70];
	v30 =	vperm.xlane v49, v0;
	v31 =	vperm.xlane v51, v0  }
0xa2: {  	v7 =	vld [tilespmem:s8+$0xB0];
	v35 =	vperm.xlane v52, v0;
	v36 =	vperm.xlane v54, v0  }
0xa3: {  	v53 =	vld [tilespmem:s12+$0x70];
	v37 =	vperm.xlane v55, v0;
	v6 =	vadd.f32 v62, v6;
	v8 =	vadd.f32 v63, v8  }
0xa4: {  	v58 =	vld [tilespmem:s8+$0xF0];
	v38 =	vperm.xlane v56, v0;
	v9 =	vadd.f32 v28, v46;
	v32 =	vadd.f32 v29, v48  }
0xa5: {  	v61 =	vld [tilespmem:s12+$0xF0];
	v39 =	vperm.xlane v57, v0;
	v33 =	vadd.f32 v30, v49;
	v34 =	vadd.f32 v31, v51  }
0xa6: {  	v40 =	vperm.xlane v59, v0;
	v10 =	vadd.f32 v35, v52;
	v12 =	vadd.f32 v36, v54  }
0xa7: {  	v41 =	vperm.xlane v60, v0;
	v11 =	vadd.f32 v37, v55;
	v14 =	vadd.f32 v38, v56  }
0xa8: {  	v15 =	vadd.f32 v39, v57;
	v16 =	vadd.f32 v40, v59  }
0xa9: {  	v45 =	vadd.f32 v41, v60;
	v7 =	vmul.f32 v47, v7;
	v13 =	vmul.f32 v53, v50  }
0xaa: {  	v21 =	vmul.f32 v61, v58;
	v6 =	vsel vm0, v6, v8;
	v9 =	vsel vm0, v9, v32  }
0xab: {  	v8 =	vsel vm0, v33, v34;
	v10 =	vsel vm0, v10, v12;
	v42 =	vperm.xlane v7, v0  }
0xac: {  	v11 =	vsel vm0, v11, v14;
	v43 =	vperm.xlane v13, v0;
	v44 =	vperm.xlane v21, v0  }
0xad: {  	v15 =	vsel vm0, v15, v16;
	v47 =	vperm.xlane v6, v1;
	v48 =	vperm.xlane v9, v1  }
0xae: {  	v50 =	vperm.xlane v8, v1;
	v51 =	vperm.xlane v10, v1;
	v7 =	vadd.f32 v42, v7  }
0xaf: {  	v52 =	vperm.xlane v11, v1;
	v13 =	vadd.f32 v43, v13;
	v46 =	vadd.f32 v44, v21  }
0xb0: {  	v53 =	vperm.xlane v15, v1;
	v6 =	vadd.f32 v47, v6;
	v9 =	vadd.f32 v48, v9  }
0xb1: {  	v8 =	vadd.f32 v50, v8;
	v7 =	vsel vm0, v45, v7;
	v49 =	vsel vm0, v13, v46  }
0xb2: {  	v10 =	vadd.f32 v51, v10;
	v54 =	vperm.xlane v7, v1;
	v55 =	vperm.xlane v49, v1  }
0xb3: {  	v11 =	vadd.f32 v52, v11;
	v56 =	vadd.f32 v53, v15  }
0xb4: {  	v7 =	vadd.f32 v54, v7;
	v12 =	vadd.f32 v55, v49  }
0xb5: {  	v6 =	vsel vm1, v6, v9;
	v8 =	vsel vm1, v8, v10;
	v57 =	vsel vm1, v11, v56  }
0xb6: {  	s11 =	sadd.s32 $0x2, s31;
	v58 =	vperm.xlane v6, v2;
	v59 =	vperm.xlane v8, v2;
	v7 =	vsel vm1, v7, v12  }
0xb7: {  	v62 =	vor.u32 s11, v4;
	v60 =	vperm.xlane v57, v2;
	v61 =	vperm.xlane v7, v2  }
0xb8: {  	v6 =	vadd.f32 v58, v6;
	v8 =	vadd.f32 v59, v8  }
0xb9: {  	v9 =	vadd.f32 v60, v57;
	v7 =	vadd.f32 v61, v7;
	_ =	sdelay $0x1  }
0xba: {  	v6 =	vsel vm2, v6, v8;
	v7 =	vsel vm2, v9, v7  }
0xbb: {  	v63 =	vld.idx.msk [tilespmem:v62+s19+$0x0], $0xffff;
	v8 =	vperm.xlane v6, v3;
	v9 =	vperm.xlane v7, v3;
	_ =	sdelay $0x1  }
0xbc: {  	v6 =	vadd.f32 v8, v6;
	v7 =	vadd.f32 v9, v7;
	_ =	sdelay $0x1  }
0xbd: {  	v6 =	vsel vm3, v6, v7  }
0xbe: {  	v6 =	vmul.f32 v6, v63;
	_ =	sdelay $0x1  }
0xbf: {  	v6 =	vmul.f32 $2.500000000e-01, v6;
	_ =	sdelay $0x1  }
0xc0: {  	v6 =	vmul.f32 $1.442695020e+00, v6;
	_ =	sdelay $0x1  }
0xc1: {  	(erf) = vpow2.f32 v6;
	_ =	sdelay $0x3  }
0xc2: {  	v6 =	vshll.u32 v62, $0x3  }
0xc3: {  	s3 =	sadd.s32 $0x2, s3;
	v6 =	vor.u32 v5, v6  }
0xc4: {  	p0 =	slt.u32 s3, $0xC6  }
.Ltmp0:
0xc5: {  	_ = 	snop;
	(pc) =	sbr.rel @p0 .LBB2_3-.Ltmp0, $4  }
0xc6: {  	_ = 	snop  }
0xc7: {  	v7 =	vpop (erf)  }
0xc8: {  	s31 =	sadd.s32 $0x4, s31;
	[tilespmem:v6+s24+$0x0] =	vst.idx.msk $0xffff, v7  }
0xc9: {  	s8 =	sadd.s32 $0x200, s8;
	s12 =	sadd.s32 $0x200, s12;
	[tilespmem:s9+$0x0] =	vst v7;
	s9 =	sadd.s32 $0x20, s9  }
0xca: {  	s3 =	sadd.s32 s10, s30  }
0xcb: {  	[hbm4b:s3+s5] =	stream.linear.scatter [tilespmem:s25], [sflag:$0x3], $0xC80, $0x38;
	[tilespmem:$0x1D5B0] =	vst v63  }
0xcc: {  	s29 =	sadd.s32 $0x1, s29;
	_ =	swait.ge [sflag:s17], $0xC80  }
0xcd: {  	p0 =	sne.s32 s29, $0x19;
	[sflag:s17] =	ssyncset.done $0x0  }
.Ltmp1:
0xce: {  	[sflag:s17] =	ssyncadd.s32 $0xFFFFF380;
	(pc) =	sbr.rel @p0 .LBB2_2-.Ltmp1, $4  }
0xcf: {  	[spmem:s4] =	stream.indirect.scatter.add.f32 [tilespmem:s24], [sflag:$0x3], $0x8, s18, s18, $0xb8;
	[tilespmem:$0x1D5B0] =	vst v63  }
0xd0: {  	_ =	swait.ge [sflag:s17], $0xC80  }
0xd1: {  	[sflag:s17] =	ssyncset.done $0x0  }
0xd2: {  	[sflag:s17] =	ssyncadd.s32 $0xFFFFF380  }
0xd3: {  	[bflag:$0x0] =	sbarrier.arrive $0xFFFF  }
0xd4: {  	[tilespmem:s26], [sflag:$0x3] =	stream.linear.gather [spmem:s14], $0x1400, $0x38;
	[tilespmem:$0x1D5B0] =	vst v63  }
0xd5: {  	_ =	swait.ge [sflag:s17], $0x1400  }
0xd6: {  	[sflag:s17] =	ssyncset.done $0x0  }
0xd7: {  	[sflag:s17] =	ssyncadd.s32 $0xFFFFEC00  }
0xd8: {  	[hbm4b:s15+s5] =	stream.linear.scatter [tilespmem:s26], [sflag:$0x3], $0x1400, $0x38;
	[tilespmem:$0x1D5B0] =	vst v63  }
0xd9: {  	_ =	swait.ge [sflag:s17], $0x1400  }
0xda: {  	s28 =	sadd.s32 $0x1, s28;
	s3 =	rddreg [dreg:$0x8]  }
0xdb: {  	p0 =	sne.s32 s28, s3  }
.Ltmp2:
0xdc: {  	_ = 	snop;
	(pc) =	sbr.rel @p0 .LBB2_1-.Ltmp2, $3  }
0xdd: {  	_ =	sdelay $0x1  }
0xde: {  	[sflag:s17] =	ssyncset.done $0x0  }
0xdf: {  	[sflag:s17] =	ssyncadd.s32 $0xFFFFEC00  }
0xe0: {  	_ =	sfence.sel $0x180000  }
0xe1: {  	[bflag:$0x0] =	sbarrier.arrive $0xFFFF  }
0xe2: {  	_ =	strace $0x90000047  }
0xe3: {  	s0 =	stileid.u32;
	[bflag:$0x2] =	sbarrier.arrive $0xFFFF  }
0xe4: {  	p0 =	sne.s32 s0, $0x0;
	s0 =	rddreg [dreg:$0x5]  }
0xe5: {  	s0 =	sadd.s32 @!p0 $0x100000, s0  }
0xe6: {  	[sflag:s0] =	ssyncadd.tile.s32 @!p0 $0x1;
	_ =	shalt  }
.Lfunc_end2:
_tile_overlayer_lowered:
.L_overlay_start_2:
0xe7: {  	(tag) =	ssettag $0x2  }
0xe8: {  	s0 =	rddreg [dreg:$0x0];
	s2 =	stileid.u32  }
0xe9: {  	s1 =	rddreg [dreg:$0x1];
	p0 =	sne.s32 s2, $0x0  }
0xea: {  	s3 =	rddreg [dreg:$0x2];
	[bflag:$0x3] =	sbarrier.arrive $0xFFFF;
	s2 =	simm.s32 @!p0 $0x1C03  }
0xeb: {  	[timem:s3], [sflag:s2] =	dma.local @!p0 [hbm:s0], s1  }
0xec: {  	s0 =	simm.s32 @!p0 $0x3  }
0xed: {  	_ =	swait.ge @!p0 [sflag:s0], s1  }
0xee: {  	s1 =	ssub.s32 @!p0 $0x0, s1;
	[sflag:s0] =	ssyncset.done @!p0 $0x0  }
0xef: {  	[sflag:s0] =	ssyncadd.s32 @!p0 s1  }
0xf0: {  	[bflag:$0x3] =	sbarrier.arrive $0xFFFF  }
0xf1: {  	_ =	shalt  }

// kernel: kernel.8.cloned.1.call-start
scs
__scs_entry_jumppad:
0x0: {  	(pc) =	sbr.rel $0x88, $3  }
0x1: {  	(tag) =	ssettag $0x0;
	lr =	simm.s32 $0x1  }
0x2: {  	[smem:$0x3F98] =	sst lr;
	_ =	strace $0xD0000000  }
0x3: {  	_ = 	snop  }
0x4: {  	_ = 	snop  }
0x5: {  	_ = 	snop  }
0x6: {  	_ = 	snop  }
0x7: {  	_ = 	snop  }
__scs_overlays_trampoline_lowered:
0x8: {  	[smem:$0x3FA7] =	sst s0  }
0x9: {  	[smem:$0x3FA8] =	sst s1  }
0xa: {  	[smem:$0x3FA9] =	sst s2  }
0xb: {  	[smem:$0x3FAA] =	sst s3  }
0xc: {  	[smem:$0x3FAB] =	sst s4  }
0xd: {  	[smem:$0x3FAC] =	sst s5  }
0xe: {  	[smem:$0x3FAD] =	sst s6  }
0xf: {  	[smem:$0x3FAE] =	sst s7  }
0x10: {  	[smem:$0x3FAF] =	sst s8  }
0x11: {  	[smem:$0x3FB0] =	sst s9;
	s0 =	simm.s32 @!p0 $0x0  }
0x12: {  	s1 =	sld [smem:$0x3F96];
	s0 =	simm.s32 @p0 $0x1  }
0x13: {  	[smem:$0x3FB1] =	sst s0;
	s0 =	simm.s32 @!p1 $0x0  }
0x14: {  	s2 =	sld [smem:$0x3F95];
	s0 =	simm.s32 @p1 $0x1  }
0x15: {  	[smem:$0x3FB2] =	sst s0;
	s0 =	simm.s32 @!p2 $0x0  }
0x16: {  	s3 =	sld [smem:$0x3FDB];
	s0 =	simm.s32 @p2 $0x1  }
0x17: {  	s4 =	simm.s32 $0x1BF5;
	[smem:$0x3FB4] =	sst s0  }
0x18: {  	s0 =	sld [smem:$0x3F97];
	_ =	swait.ge [sflag:s4], $0x0  }
0x19: {  	s7 =	sld [smem:$0x3F98]  }
0x1a: {  	s8 =	sadd.s32 $0xFFFFE003, lr  }
0x1b: {  	s9 =	sadd.s32 $0xFFFFFEF7, lr;
	s5 =	simm.s32 $0xFFFFFFFF;
	p2 =	slt.u32 s8, $0xFFFFF086  }
0x1c: {  	p1 =	slt.u32 s9, $0xF7A;
	s5 =	simm.s32 @!p2 $0x0  }
0x1d: {  	s5 =	simm.s32 @p1 $0x1;
	p0 =	seq.s32 s7, s2  }
0x1e: {  	s7 =	smul.u32 @!p0 $0xF7A, s2;
	p2 =	seq.s32 @!p0 s5, $0x0  }
0x1f: {  	s9 =	smul.u32 $0xF7A, s1;
	s8 =	simm.s32 @!p0 $0x1BF5;
	p2 =	por !p2, p0  }
0x20: {  	[sflag:s8] =	ssyncset.s32 @!p0 $0xFFFFF086;
	s6 =	sadd.s32 @!p0 s3, s7;
	s7 =	simm.s32 @!p0 $0x108  }
0x21: {  	s3 =	sadd.s32 s3, s9;
	s6 =	sadd.s32 @!p0 $0x88, s6;
	s7 =	simm.s32 @p2 $0x1082  }
0x22: {  	[simem:s7], [sflag:s8] =	dma.local @!p0 [hbm:s6], $0xF7A  }
0x23: {  	s9 =	sor.u32 $0xD0000000, s2;
	s6 =	simm.s32 $0x108;
	_ =	swait.ge @!p0 [sflag:s8], $0x0  }
0x24: {  	s3 =	sadd.s32 $0x88, s3;
	s6 =	simm.s32 @!p1 $0x1082;
	[sflag:s4] =	ssyncset.s32 $0xFFFFF086  }
0x25: {  	[simem:s6], [sflag:s4] =	dma.local [hbm:s3], $0xF7A  }
0x26: {  	[smem:$0x3F98] =	sst s1;
	(tag) =	ssettag s2;
	_ =	strace s9  }
0x27: {  	s1 =	sld [smem:$0x3FA8]  }
0x28: {  	s2 =	sld [smem:$0x3FA9]  }
0x29: {  	s4 =	sld [smem:$0x3FAB]  }
0x2a: {  	p0 =	seq.s32 s5, $0x0;
	s5 =	sld [smem:$0x3FAC]  }
0x2b: {  	s6 =	sld [smem:$0x3FAD]  }
0x2c: {  	s7 =	sld [smem:$0x3FAE]  }
0x2d: {  	s3 =	simm.s32 $0x108;
	s8 =	sld [smem:$0x3FAF]  }
0x2e: {  	s3 =	simm.s32 @!p0 $0x1082;
	s9 =	sld [smem:$0x3FB0]  }
0x2f: {  	lr =	sadd.s32 s0, s3;
	s0 =	sld [smem:$0x3FA7]  }
0x30: {  	s3 =	sld [smem:$0x3FAA]  }
0x31: {  	[smem:$0x3FB3] =	sst s10  }
0x32: {  	s10 =	sld [smem:$0x3FB1];
	_ =	sdelay $0x3  }
0x33: {  	p0 =	seq.s32 s10, $0x1;
	s10 =	sld [smem:$0x3FB3];
	_ =	sdelay $0x3  }
0x34: {  	[smem:$0x3FB3] =	sst s10  }
0x35: {  	s10 =	sld [smem:$0x3FB2];
	_ =	sdelay $0x3  }
0x36: {  	p1 =	seq.s32 s10, $0x1;
	s10 =	sld [smem:$0x3FB3];
	_ =	sdelay $0x3  }
0x37: {  	[smem:$0x3FB3] =	sst s10  }
0x38: {  	s10 =	sld [smem:$0x3FB4]  }
0x39: {  	_ = 	snop;
	(pc) =	sbr.ind lr, $3  }
0x3a: {  	_ = 	snop  }
0x3b: {  	_ = 	snop  }
0x3c: {  	p2 =	seq.s32 s10, $0x1;
	s10 =	sld [smem:$0x3FB3]  }
0x3d: {  	_ =	shalt  }
0x3e: {  	_ =	shalt  }
0x3f: {  	_ =	shalt  }
0x40: {  	_ =	shalt  }
0x41: {  	_ =	shalt  }
0x42: {  	_ =	shalt  }
0x43: {  	_ =	shalt  }
0x44: {  	_ =	shalt  }
0x45: {  	_ =	shalt  }
0x46: {  	_ =	shalt  }
0x47: {  	_ =	shalt  }
0x48: {  	_ =	shalt  }
0x49: {  	_ =	shalt  }
0x4a: {  	_ =	shalt  }
0x4b: {  	_ =	shalt  }
0x4c: {  	_ =	shalt  }
0x4d: {  	_ =	shalt  }
0x4e: {  	_ =	shalt  }
0x4f: {  	_ =	shalt  }
0x50: {  	_ =	shalt  }
0x51: {  	_ =	shalt  }
0x52: {  	_ =	shalt  }
0x53: {  	_ =	shalt  }
0x54: {  	_ =	shalt  }
0x55: {  	_ =	shalt  }
0x56: {  	_ =	shalt  }
0x57: {  	_ =	shalt  }
0x58: {  	_ =	shalt  }
0x59: {  	_ =	shalt  }
0x5a: {  	_ =	shalt  }
0x5b: {  	_ =	shalt  }
0x5c: {  	_ =	shalt  }
0x5d: {  	_ =	shalt  }
0x5e: {  	_ =	shalt  }
0x5f: {  	_ =	shalt  }
0x60: {  	_ =	shalt  }
0x61: {  	_ =	shalt  }
0x62: {  	_ =	shalt  }
0x63: {  	_ =	shalt  }
0x64: {  	_ =	shalt  }
0x65: {  	_ =	shalt  }
0x66: {  	_ =	shalt  }
0x67: {  	_ =	shalt  }
0x68: {  	_ =	shalt  }
0x69: {  	_ =	shalt  }
0x6a: {  	_ =	shalt  }
0x6b: {  	_ =	shalt  }
0x6c: {  	_ =	shalt  }
0x6d: {  	_ =	shalt  }
0x6e: {  	_ =	shalt  }
0x6f: {  	_ =	shalt  }
0x70: {  	_ =	shalt  }
0x71: {  	_ =	shalt  }
0x72: {  	_ =	shalt  }
0x73: {  	_ =	shalt  }
0x74: {  	_ =	shalt  }
0x75: {  	_ =	shalt  }
0x76: {  	_ =	shalt  }
0x77: {  	_ =	shalt  }
0x78: {  	_ =	shalt  }
0x79: {  	_ =	shalt  }
0x7a: {  	_ =	shalt  }
0x7b: {  	_ =	shalt  }
0x7c: {  	_ =	shalt  }
0x7d: {  	_ =	shalt  }
0x7e: {  	_ =	shalt  }
0x7f: {  	_ =	shalt  }
0x80: {  	_ =	shalt  }
0x81: {  	_ =	shalt  }
0x82: {  	_ =	shalt  }
0x83: {  	_ =	shalt  }
0x84: {  	_ =	shalt  }
0x85: {  	_ =	shalt  }
0x86: {  	_ =	shalt  }
0x87: {  	_ =	shalt  }
.Lfunc_end0:
.L_simem_size_0:
called_computation.1_lowered:
.L_overlay_start_0:
0x88: {  	s2 =	sld [smem:$0x3FD9]  }
0x89: {  	s3 =	sld [smem:$0x3FFE];
	_ =	sdelay $0x1  }
0x8a: {  	s1 =	srdreg.scid  }
0x8b: {  	s0 =	sand.u32 $0x1, s1  }
0x8c: {  	s14 =	sshll.u32 s0, $0xA;
	s2 =	sadd.s32 s3, s2  }
0x8d: {  	s2 =	sadd.s32 s2, s14  }
0x8e: {  	[smem:$0x3FBF] =	sst s2  }
0x8f: {  	_ = 	snop  }
0x90: {  	s2 =	sld [smem:$0x3FD0];
	_ =	sdelay $0x2  }
0x91: {  	s15 =	simm.s32 $0xA;
	s4 =	simm.s32 $0x10  }
0x92: {  	[smem:s4], [sflag:s15] =	dma.local [hbm:s2], $0x1  }
0x93: {  	_ =	swait.eq [sflag:s15], $0x1  }
0x94: {  	[sflag:s15] =	ssyncset.done $0x0  }
0x95: {  	[sflag:s15] =	ssyncadd.s32 $0xFFFFFFFF  }
0x96: {  	s16 =	sld [smem:$0x10];
	(tm) =	ssettm $0x1  }
0x97: {  	s17 =	sld [smem:$0x3FFB];
	_ =	sdelay $0x3  }
0x98: {  	_ =	strace s17  }
0x99: {  	s3 =	sld [smem:$0x3FFC];
	_ =	sdelay $0x3  }
0x9a: {  	_ =	strace s3  }
0x9b: {  	s3 =	sld [smem:$0x3FFD];
	_ =	sdelay $0x3  }
0x9c: {  	_ =	strace s3  }
0x9d: {  	_ =	strace $0x8FFFFFFF  }
0x9e: {  	s18 =	sld [smem:$0x3FDB];
	_ =	sdelay $0x1  }
0x9f: {  	s19 =	simm.s32 $_scs_section_size  }
0xa0: {  	s5 =	simm.s32 $_size__tile_overlayer_lowered;
	s6 =	simm.s32 $_tile_overlayer_lowered  }
0xa1: {  	s22 =	simm.s32 $0x1BFF;
	s21 =	sshll.u32 s6, $0x1;
	s3 =	sadd.s32 s19, s18  }
0xa2: {  	s7 =	simm.s32 $0x0;
	s20 =	sshll.u32 s5, $0x1;
	s5 =	sadd.s32 s21, s3  }
0xa3: {  	[timem:s7], [sflag:s22] =	dma.local [hbm:s5], s20  }
0xa4: {  	_ =	swait.ge [sflag:s22], s20  }
0xa5: {  	s4 =	ssub.s32 $0x0, s20;
	[sflag:s22] =	ssyncset.done $0x0  }
0xa6: {  	[sflag:s22] =	ssyncadd.s32 s4;
	_ =	sdelay $0x1  }
0xa7: {  	s23 =	simm.s32 $0x1B8B  }
0xa8: {  	_ =	swait.ge [sflag:s23], $0x1  }
0xa9: {  	[sflag:s23] =	ssyncset.done $0x0  }
0xaa: {  	s25 =	simm.s32 $0x1B8E;
	s24 =	sld [smem:$0x3FFE];
	[sflag:s23] =	ssyncadd.s32 $0xFFFFFFFF  }
0xab: {  	s26 =	simm.s32 $execute0_lowered;
	[smem:$0x3FD2] =	sst s25  }
0xac: {  	s5 =	sshll.u32 s26, $0x1;
	_ =	strace $0x80000049;
	[dreg:$0x1] =	wrdreg $0xFFFFFFFF  }
0xad: {  	s28 =	simm.s32 $_size_execute0_lowered;
	s3 =	sadd.s32 s3, s5;
	[dreg:$0x0] =	wrdreg $0x0  }
0xae: {  	s5 =	sshll.u32 s28, $0x1;
	[dreg:$0x2] =	wrdreg s3  }
0xaf: {  	[dreg:$0x3] =	wrdreg s5  }
0xb0: {  	[dreg:$0x4] =	wrdreg $0xC0  }
0xb1: {  	_ =	task [dreg:s7], $0x5FFFF  }
0xb2: {  	[dreg:$0x1] =	wrdreg $0xFFFFFFFF  }
0xb3: {  	[dreg:$0x0] =	wrdreg $0x60  }
0xb4: {  	[dreg:$0x2] =	wrdreg s24  }
0xb5: {  	[dreg:$0x3] =	wrdreg s16  }
0xb6: {  	[dreg:$0x4] =	wrdreg $0x9  }
0xb7: {  	_ =	task.clear_ibuf [dreg:s7], $0x5FFFF;
	_ =	strace $0x90000049  }
0xb8: {  	s29 =	simm.s32 $0x9;
	_ =	strace $0x8000004B  }
0xb9: {  	_ =	swait.ge [sflag:s29], $0x1  }
0xba: {  	[sflag:s29] =	ssyncadd.s32 $0xFFFFFFFF  }
0xbb: {  	_ =	strace $0x9000004B  }
0xbc: {  	_ =	sfence  }
0xbd: {  	s30 =	sld [smem:$0x0];
	_ =	sdelay $0x2  }
0xbe: {  	s31 =	sshll.u32 s1, $0xD;
	s1 =	sshrl.u32 s1, $0x2  }
0xbf: {  	s3 =	sand.u32 $0x4000, s31;
	s1 =	sadd.s32 s1, s30  }
0xc0: {  	s0 =	sor.u32 s3, s0;
	s1 =	sshll.u32 s1, $0x11  }
0xc1: {  	s0 =	sor.u32 s1, s0  }
0xc2: {  	s0 =	sadd.s32 $0x8F2B, s0  }
0xc3: {  	[sflag:s0] =	ssyncadd.remote.s32 $0x1  }
0xc4: {  	_ =	sfence.sel $0xFFFF  }
0xc5: {  	[dreg:$0x0] =	wrdreg $0xFFFFFFFF;
	(pc) =	sbr.abs _section_cstart, $3  }
0xc6: {  	[dreg:$0x1] =	wrdreg $0xFFFFFFFF  }
0xc7: {  	_ =	task.clear_ibuf [dreg:s7], $0x2FFFF;
	_ =	strace $0x9FFFFFFF  }
0xc8: {  	(tm) =	ssettm $0x7FFFFFFF  }
0xc9: {  	_ =	shalt  }
tec
execute0_lowered:
.L_overlay_start_1:
0x0: {  	(tag) =	ssettag $0x1  }
0x1: {  	s7 =	rddreg [dreg:$0x0]  }
0x2: {  	s1 =	rddreg [dreg:$0x1]  }
0x3: {  	s0 =	rddreg [dreg:$0x2]  }
0x4: {  	s2 =	simm.s32 $0x0;
	s3 =	srdreg.scid;
	s12 =	simm.s32 $0x84D0  }
0x5: {  	s13 =	simm.s32 $0x1;
	s14 =	simm.s32 $0x2;
	s15 =	simm.s32 $0xC350  }
0x6: {  	s16 =	simm.s32 $0x0;
	[smem:$0x7FF] =	sst s2;
	s4 =	sadd.s32 $0x15600, s7  }
0x7: {  	s8 =	sand.u32 $0x1, s3;
	s5 =	sadd.s32 $0xB400, s7;
	s3 =	stileid.u32  }
0x8: {  	v1 =	vlaneseq.u32;
	s6 =	sadd.s32 $0x63800, s7;
	s7 =	sadd.s32 $0x66000, s7;
	s9 =	ssub.s32 $0x2, s8  }
0x9: {  	v0 =	vshrl.u32 v1, $0x3;
	_ =	strace $0x8000004A;
	s11 =	sshll.u32 s3, $0x1;
	s10 =	sshrl.u32 s9, $0x1  }
0xa: {  	v0 =	vmul.u32 $0x8, v0;
	s8 =	sor.u32 s8, s11;
	s11 =	simm.s32 $0x4650;
	s9 =	ssub.s32 s9, s10  }
0xb: {  	v1 =	vand.u32 $0x7, v1;
	s8 =	smul.u32 $0x2710, s8;
	s10 =	simm.s32 $0x3;
	s9 =	smax.u32 s9, $0x1  }
.LBB2_1:
0xc: {  	s17 =	simm.s32 $0x0  }
.LBB2_2:
0xd: {  	s18 =	smul.u32 $0x7D0, s17;
	_ =	sdelay $0x1  }
0xe: {  	s18 =	sadd.s32 s8, s18  }
0xf: {  	s19 =	sshrl.u32 s18, $0x3  }
0x10: {  	s20 =	simm.s32 $0x0;
	s19 =	sadd.s32 s5, s19  }
0x11: {  	[tilespmem:s20], [sflag:$0x3] =	stream.linear.gather [hbm4b:s19+s20], $0x7D0, $0x38;
	[tilespmem:$0x101D0] =	vst v63  }
0x12: {  	_ =	swait.ge [sflag:s10], $0x7D0  }
0x13: {  	[sflag:s10] =	ssyncset.done $0x0  }
0x14: {  	s21 =	simm.s32 $0x7D0;
	s29 =	sadd.s32 s4, s18;
	[sflag:s10] =	ssyncadd.s32 $0xFFFFF830  }
0x15: {  	[tilespmem:s21], [sflag:$0x3] =	stream.linear.gather [hbm4b:s29+s20], $0x3E80, $0x38;
	[tilespmem:$0x101D0] =	vst v63  }
0x16: {  	_ =	swait.ge [sflag:s10], $0x3E80  }
0x17: {  	[sflag:s10] =	ssyncset.done $0x0  }
0x18: {  	[sflag:s10] =	ssyncadd.s32 $0xFFFFC180  }
0x19: {  	[tilespmem:s11], [sflag:$0x1] =	stream.indirect.gather [hbm4b:s6+s21], $0x8, s20, s21, $0xb8;
	[tilespmem:$0x101D0] =	vst v63  }
0x1a: {  	v2 =	vmov s20  }
0x1b: {  	v2 =	vshll.u32 v2, $0x3;
	[tilespmem:s12], [sflag:$0x2] =	stream.indirect.gather [hbm4b:s7+s21], $0x8, s20, s21, $0xb8;
	[tilespmem:$0x101D0] =	vst v63  }
0x1c: {  	v2 =	vor.u32 v0, v2;
	_ =	swait.ge [sflag:s13], $0x3E80  }
0x1d: {  	v2 =	vor.u32 v1, v2;
	[sflag:s13] =	ssyncset.done $0x0  }
0x1e: {  	[sflag:s13] =	ssyncadd.s32 $0xFFFFC180  }
0x1f: {  	_ =	swait.ge [sflag:s14], $0x3E80  }
0x20: {  	[sflag:s14] =	ssyncset.done $0x0  }
0x21: {  	[sflag:s14] =	ssyncadd.s32 $0xFFFFC180  }
0x22: {  	v3 =	vld.idx.msk [tilespmem:v2+s11+$0x0], $0xffff  }
0x23: {  	v2 =	vld.idx.msk [tilespmem:v2+s12+$0x0], $0xffff;
	_ =	sdelay $0x4  }
0x24: {  	v2 =	vadd.f32 v2, v3;
	_ =	sdelay $0x1  }
0x25: {  	v2 =	vadd.f32 $1.000000020e-16, v2;
	_ =	sdelay $0x1  }
0x26: {  	(erf) = vrcp.f32 v2;
	_ =	sdelay $0x3  }
0x27: {  	s30 =	simm.s32 $0x2  }
0x28: {  	v3 =	vld [tilespmem:s21+$0x0];
	v2 =	vmov s30  }
0x29: {  	v2 =	vshll.u32 v2, $0x3  }
0x2a: {  	v2 =	vor.u32 v0, v2  }
0x2b: {  	v2 =	vor.u32 v1, v2  }
0x2c: {  	v4 =	vpop (erf)  }
0x2d: {  	v3 =	vmul.f32 v4, v3  }
0x2e: {  	s19 =	simm.s32 $0xC350  }
0x2f: {  	[tilespmem:s19+$0x0] =	vst v3  }
0x30: {  	v3 =	vld.idx.msk [tilespmem:v2+s11+$0x0], $0xffff  }
0x31: {  	v2 =	vld.idx.msk [tilespmem:v2+s12+$0x0], $0xffff;
	_ =	sdelay $0x4  }
0x32: {  	v2 =	vadd.f32 v2, v3;
	_ =	sdelay $0x1  }
0x33: {  	v2 =	vadd.f32 $1.000000020e-16, v2;
	_ =	sdelay $0x1  }
0x34: {  	(erf) = vrcp.f32 v2;
	_ =	sdelay $0x3  }
0x35: {  	s31 =	simm.s32 $0x4;
	s20 =	simm.s32 $0x7E0  }
0x36: {  	v3 =	vmov s31;
	v2 =	vld [tilespmem:s20+$0x0]  }
0x37: {  	s21 =	simm.s32 $0x6;
	v3 =	vshll.u32 v3, $0x3  }
.LBB2_3:
0x38: {  	p0 =	sne.s32 s21, $0x7CE;
	v3 =	vor.u32 v0, v3  }
0x39: {  	v3 =	vor.u32 v1, v3  }
0x3a: {  	v4 =	vpop (erf)  }
0x3b: {  	v2 =	vmul.f32 v4, v2  }
0x3c: {  	s19 =	sadd.s32 $0x10, s19  }
0x3d: {  	[tilespmem:s19+$0x0] =	vst v2  }
0x3e: {  	v2 =	vld.idx.msk [tilespmem:v3+s11+$0x0], $0xffff  }
0x3f: {  	v3 =	vld.idx.msk [tilespmem:v3+s12+$0x0], $0xffff;
	_ =	sdelay $0x5  }
0x40: {  	v2 =	vadd.f32 v3, v2;
	_ =	sdelay $0x1  }
0x41: {  	v2 =	vadd.f32 $1.000000020e-16, v2;
	_ =	sdelay $0x1  }
0x42: {  	(erf) = vrcp.f32 v2;
	_ =	sdelay $0x1  }
.Ltmp0:
0x43: {  	(pc) =	sbr.rel @p0 .LBB2_3-.Ltmp0, $4  }
0x44: {  	_ = 	snop  }
0x45: {  	s20 =	sadd.s32 $0x10, s20  }
0x46: {  	v3 =	vmov s21;
	v2 =	vld [tilespmem:s20+$0x0]  }
0x47: {  	s21 =	sadd.s32 $0x2, s21;
	v3 =	vshll.u32 v3, $0x3  }
0x48: {  	v3 =	vor.u32 v0, v3  }
0x49: {  	v3 =	vor.u32 v1, v3  }
0x4a: {  	v4 =	vpop (erf)  }
0x4b: {  	v2 =	vmul.f32 v4, v2  }
0x4c: {  	s19 =	sadd.s32 $0x10, s19  }
0x4d: {  	[tilespmem:s19+$0x0] =	vst v2  }
0x4e: {  	v2 =	vld.idx.msk [tilespmem:v3+s11+$0x0], $0xffff  }
0x4f: {  	v3 =	vld.idx.msk [tilespmem:v3+s12+$0x0], $0xffff;
	_ =	sdelay $0x4  }
0x50: {  	v2 =	vadd.f32 v3, v2;
	_ =	sdelay $0x1  }
0x51: {  	v2 =	vadd.f32 $1.000000020e-16, v2;
	_ =	sdelay $0x1  }
0x52: {  	(erf) = vrcp.f32 v2;
	_ =	sdelay $0x3  }
0x53: {  	s20 =	sadd.s32 $0x10, s20  }
0x54: {  	v2 =	vld [tilespmem:s20+$0x0];
	_ =	sdelay $0x3  }
0x55: {  	v3 =	vpop (erf)  }
0x56: {  	s17 =	sadd.s32 $0x1, s17;
	v2 =	vmul.f32 v3, v2  }
0x57: {  	p0 =	sne.s32 s17, $0x5;
	s19 =	sadd.s32 $0x10, s19  }
.Ltmp1:
0x58: {  	s18 =	sadd.s32 s1, s18;
	[tilespmem:s19+$0x0] =	vst v2;
	(pc) =	sbr.rel @p0 .LBB2_2-.Ltmp1, $4  }
0x59: {  	[hbm4b:s18+s2] =	stream.linear.scatter [tilespmem:s15], [sflag:$0x3], $0x3E80, $0x38;
	[tilespmem:$0x101D0] =	vst v63  }
0x5a: {  	_ =	swait.ge [sflag:s10], $0x3E80  }
0x5b: {  	[sflag:s10] =	ssyncset.done $0x0  }
0x5c: {  	[sflag:s10] =	ssyncadd.s32 $0xFFFFC180  }
0x5d: {  	s16 =	sadd.s32 $0x1, s16  }
0x5e: {  	p0 =	sne.s32 s16, s9  }
.Ltmp2:
0x5f: {  	_ = 	snop;
	(pc) =	sbr.rel @p0 .LBB2_1-.Ltmp2, $1  }
0x60: {  	_ =	sdelay $0x3  }
0x61: {  	_ =	sfence.sel $0x180000  }
0x62: {  	[bflag:$0x0] =	sbarrier.arrive $0xFFFF  }
0x63: {  	p0 =	sne.s32 s3, $0x0;
	_ =	strace $0x9000004A  }
0x64: {  	s0 =	sadd.s32 @!p0 $0x100000, s0;
	[bflag:$0x2] =	sbarrier.arrive $0xFFFF  }
0x65: {  	[sflag:s0] =	ssyncadd.tile.s32 @!p0 $0x1;
	_ =	shalt  }
.Lfunc_end2:
_tile_overlayer_lowered:
.L_overlay_start_2:
0x66: {  	(tag) =	ssettag $0x2  }
0x67: {  	s0 =	rddreg [dreg:$0x0];
	s2 =	stileid.u32  }
0x68: {  	s1 =	rddreg [dreg:$0x1];
	p0 =	sne.s32 s2, $0x0  }
0x69: {  	s3 =	rddreg [dreg:$0x2];
	[bflag:$0x3] =	sbarrier.arrive $0xFFFF;
	s2 =	simm.s32 @!p0 $0x1C03  }
0x6a: {  	[timem:s3], [sflag:s2] =	dma.local @!p0 [hbm:s0], s1  }
0x6b: {  	s0 =	simm.s32 @!p0 $0x3  }
0x6c: {  	_ =	swait.ge @!p0 [sflag:s0], s1  }
0x6d: {  	s1 =	ssub.s32 @!p0 $0x0, s1;
	[sflag:s0] =	ssyncset.done @!p0 $0x0  }
0x6e: {  	[sflag:s0] =	ssyncadd.s32 @!p0 s1  }
0x6f: {  	[bflag:$0x3] =	sbarrier.arrive $0xFFFF  }
0x70: {  	_ =	shalt  }

</sc_bundles>
